<compile_context>
chip_gen: v7x
topology: tpu7x:2x2x1
jax: 0.10.2.dev20260603
libtpu: 0.0.44.dev20260713+nightly
codegen_flags: <defaults>
</compile_context>

<pallas_src>
import functools

import jax
import jax.numpy as jnp
from jax import lax
from jax.experimental import pallas as pl
from jax.experimental.pallas import tpu as pltpu
from jax.experimental.pallas import tpu_sc as plsc

NW = 32
PIECES = (104, 96)
PMAX = 104
NBUF = 4


def _emb_kernel(B, T, D, n_seq):
  mesh = plsc.VectorSubcoreMesh(
      core_axis_name="c", subcore_axis_name="s", num_cores=2, num_subcores=16)
  n_rounds = n_seq // NBUF

  @functools.partial(
      pl.kernel,
      mesh=mesh,
      out_type=jax.ShapeDtypeStruct((B, T, D), jnp.float32),
      scratch_types=[
          pltpu.VMEM((n_seq, 2, PMAX), jnp.int32),
          pltpu.VMEM_SHARED((T, D), jnp.float32),
          [pltpu.VMEM((T, D), jnp.float32)] * NBUF,
          pltpu.SemaphoreType.DMA((NBUF,)),
          pltpu.SemaphoreType.DMA((NBUF,)),
          pltpu.SemaphoreType.DMA((NBUF,)),
      ],
  )
  def k(idx_hbm, tab_hbm, pos_hbm, out_hbm,
        idx_v, pos_sh, accs, ssem, gsem, osem):
    sid = lax.axis_index("s")
    wid = lax.axis_index("c") * 16 + sid
    base = wid * n_seq

    pltpu.sync_copy(idx_hbm.at[wid], idx_v)
    @pl.when(sid == 0)
    def _():
      pltpu.sync_copy(pos_hbm, pos_sh)
    plsc.subcore_barrier()

    def seed(b):
      pltpu.async_copy(pos_sh, accs[b], ssem.at[b])

    def seed_wait(b):
      pltpu.make_async_copy(pos_sh, accs[b], ssem.at[b]).wait()

    def gather_start(c, b):
      pltpu.async_copy(tab_hbm.at[idx_v.at[c, 0, pl.ds(0, PIECES[0])]],
                       accs[b].at[pl.ds(0, PIECES[0])], gsem.at[b], add=True)
      pltpu.async_copy(tab_hbm.at[idx_v.at[c, 1, pl.ds(0, PIECES[1])]],
                       accs[b].at[pl.ds(PIECES[0], PIECES[1])],
                       gsem.at[b], add=True)

    def gather_wait_h(c, b, h):
      off = 0 if h == 0 else PIECES[0]
      pltpu.make_async_copy(tab_hbm.at[idx_v.at[c, h, pl.ds(0, PIECES[h])]],
                            accs[b].at[pl.ds(off, PIECES[h])],
                            gsem.at[b]).wait()

    def out_start_h(c, b, h):
      off = 0 if h == 0 else PIECES[0]
      pltpu.async_copy(accs[b].at[pl.ds(off, PIECES[h])],
                       out_hbm.at[base + c, pl.ds(off, PIECES[h])],
                       osem.at[b])

    def out_wait(b):
      for h in range(2):
        off = 0 if h == 0 else PIECES[0]
        pltpu.make_async_copy(accs[b].at[pl.ds(off, PIECES[h])],
                              out_hbm.at[base, pl.ds(off, PIECES[h])],
                              osem.at[b]).wait()

    seed(0)
    seed(1)
    seed(2)
    seed_wait(0)
    gather_start(0, 0)

    def round_body(r, carry):
      for b in range(NBUF):
        c = NBUF * r + b
        b1, b2 = (b + 1) % NBUF, (b + 2) % NBUF
        if b == NBUF - 1:
          @pl.when(r < n_rounds - 1)
          def _():
            seed_wait(b1)
            gather_start(c + 1, b1)
        else:
          seed_wait(b1)
          gather_start(c + 1, b1)
        gather_wait_h(c, b, 0)
        out_start_h(c, b, 0)
        gather_wait_h(c, b, 1)
        out_start_h(c, b, 1)
        if b < 2:
          @pl.when(r > 0)
          def _():
            out_wait(b2)
          if b == 1:
            seed(b2)
          else:
            @pl.when(r > 0)
            def _():
              seed(b2)
        else:
          out_wait(b2)

          @pl.when(c + 2 < n_seq)
          def _():
            seed(b2)
      return carry

    lax.fori_loop(0, n_rounds, round_body, 0)

    for b in (NBUF - 2, NBUF - 1):
      out_wait(b)

  return k


def kernel(inputs, embbedL, embbedP):
  B, T = inputs.shape
  V, D = embbedL.shape
  assert B % NW == 0 and T == sum(PIECES)
  n_seq = B // NW
  assert n_seq % NBUF == 0 and n_seq // NBUF >= 2

  flat = inputs.reshape(NW, n_seq, T).astype(jnp.int32)
  p0 = flat[:, :, :PIECES[0]]
  p1 = jnp.pad(flat[:, :, PIECES[0]:], ((0, 0), (0, 0), (0, PMAX - PIECES[1])))
  idx = jnp.stack([p0, p1], axis=2)
  return _emb_kernel(B, T, D, n_seq)(idx, embbedL, embbedP)

# --- scband reference (transcript-rebuilt; emitter-appended) ---
"""Pipeline reference for scband-embeddings-69518340653611 (READ-ONLY COPY).

The authoritative reference and input builder live on the scoring server;
editing this copy changes nothing except your own understanding.
"""

import jax, jax.numpy as jnp
import numpy as np

VOCAB = 100000
MAX_LEN = 200
DIM = 128
B = 1024
T = 200

def setup_inputs(seed: int = 0) -> dict:
    key = jax.random.key(seed)
    k1, k2, k3 = jax.random.split(key, 3)
    inputs = jax.random.randint(k1, (B, T), 0, VOCAB, dtype=jnp.int64) if jax.config.jax_enable_x64 else jax.random.randint(k1, (B, T), 0, VOCAB, dtype=jnp.int32)
    embbedL = jax.random.normal(k2, (VOCAB, DIM), dtype=jnp.float32) * 0.02
    embbedP = jax.random.normal(k3, (MAX_LEN, DIM), dtype=jnp.float32) * 0.02
    return {"inputs": inputs, "embbedL": embbedL, "embbedP": embbedP}

def reference(inputs, embbedL, embbedP):
    # pos = torch.arange(T).repeat(N, 1)
    N, Tt = inputs.shape
    pos = jnp.tile(jnp.arange(Tt, dtype=inputs.dtype), (N, 1))
    # embbedL(inputs) + embbedP(pos)
    tok = jnp.take(embbedL, inputs, axis=0)
    ps = jnp.take(embbedP, pos, axis=0)
    return tok + ps

if __name__ == "__main__":
    import jax
    _d = setup_inputs()
    print(jax.jit(kernel)(*tuple(_d.values())))

</pallas_src>

<mosaic_0001>
#map = affine_map<(d0, d1) -> (0, 0, 0, 0)>
#map1 = affine_map<(d0, d1) -> (0, 0)>
#map2 = affine_map<(d0, d1) -> (0, 0, 0)>
module attributes {stable_mosaic.version = 14 : i64} {
  func.func @k(%arg0: i32, %arg1: i32, %arg2: memref<32x32x2x104xi32, #tpu.memory_space<hbm>>, %arg3: memref<100000x128xf32, #tpu.memory_space<hbm>>, %arg4: memref<200x128xf32, #tpu.memory_space<hbm>>, %arg5: memref<1024x200x128xf32, #tpu.memory_space<hbm>>, %arg6: memref<32x2x104xi32, #tpu.memory_space<vmem>>, %arg7: memref<200x128xf32, #tpu.memory_space<vmem_shared>>, %arg8: memref<200x128xf32, #tpu.memory_space<vmem>>, %arg9: memref<200x128xf32, #tpu.memory_space<vmem>>, %arg10: memref<200x128xf32, #tpu.memory_space<vmem>>, %arg11: memref<200x128xf32, #tpu.memory_space<vmem>>, %arg12: memref<4x!tpu.dma_semaphore, #tpu.memory_space<semaphore_mem>>, %arg13: memref<4x!tpu.dma_semaphore, #tpu.memory_space<semaphore_mem>>, %arg14: memref<4x!tpu.dma_semaphore, #tpu.memory_space<semaphore_mem>>) attributes {dimension_semantics = [#tpu.dimension_semantics<core_parallel>, #tpu.dimension_semantics<subcore_parallel>], iteration_bounds = array<i64: 2, 16>, scalar_prefetch = 0 : i64, scratch_operands = 9 : i64, tpu.core_type = #tpu.core_type<sc_vector_subcore>, window_params = [{transform_indices = #map}, {transform_indices = #map1}, {transform_indices = #map1}, {transform_indices = #map2}]} {
    %mul3A = arith.constant 16 : i32
    %mul3A_0 = arith.muli %arg0, %mul3A : i32
    %add3A = arith.addi %mul3A_0, %arg1 : i32
    %mul3A_1 = arith.constant 32 : i32
    %mul3A_2 = arith.muli %add3A, %mul3A_1 : i32
    "tpu.region"() ({
      %run_scoped3A = tpu.sem_alloc : memref<!tpu.dma_semaphore, #tpu.memory_space<semaphore_mem>>
      %dma_start3A_116 = arith.constant 0 : i32
      %dma_start3A_117 = arith.constant 0 : i32
      %dma_start3A_118 = arith.constant 0 : i32
      %dma_start3A_119 = tpu.memref_slice %arg2[%add3A, %dma_start3A_116, %dma_start3A_117, %dma_start3A_118] : memref<32x32x2x104xi32, #tpu.memory_space<hbm>> -> memref<1x32x2x104xi32, #tpu.memory_space<hbm>>
      %dma_start3A_120 = tpu.memref_squeeze %dma_start3A_119 : memref<1x32x2x104xi32, #tpu.memory_space<hbm>> -> memref<32x2x104xi32, #tpu.memory_space<hbm>>
      %dma_start3A_121 = arith.constant 0 : i32
      %dma_start3A_122 = arith.constant 0 : i32
      %dma_start3A_123 = arith.constant 0 : i32
      %dma_start3A_124 = tpu.memref_slice %arg2[%add3A, %dma_start3A_121, %dma_start3A_122, %dma_start3A_123] : memref<32x32x2x104xi32, #tpu.memory_space<hbm>> -> memref<1x32x2x104xi32, #tpu.memory_space<hbm>>
      %dma_start3A_125 = tpu.memref_squeeze %dma_start3A_124 : memref<1x32x2x104xi32, #tpu.memory_space<hbm>> -> memref<32x2x104xi32, #tpu.memory_space<hbm>>
      tpu.enqueue_dma source(%dma_start3A_125 : memref<32x2x104xi32, #tpu.memory_space<hbm>>) target(%arg6 : memref<32x2x104xi32, #tpu.memory_space<vmem>>) target_semaphore(%run_scoped3A : memref<!tpu.dma_semaphore, #tpu.memory_space<semaphore_mem>>)
      %dma_wait3A_126 = arith.constant 0 : i32
      %dma_wait3A_127 = arith.constant 0 : i32
      %dma_wait3A_128 = arith.constant 0 : i32
      %dma_wait3A_129 = tpu.memref_slice %arg2[%add3A, %dma_wait3A_126, %dma_wait3A_127, %dma_wait3A_128] : memref<32x32x2x104xi32, #tpu.memory_space<hbm>> -> memref<1x32x2x104xi32, #tpu.memory_space<hbm>>
      %dma_wait3A_130 = tpu.memref_squeeze %dma_wait3A_129 : memref<1x32x2x104xi32, #tpu.memory_space<hbm>> -> memref<32x2x104xi32, #tpu.memory_space<hbm>>
      %dma_wait3A_131 = arith.constant 0 : i32
      %dma_wait3A_132 = arith.constant 0 : i32
      %dma_wait3A_133 = arith.constant 0 : i32
      %dma_wait3A_134 = tpu.memref_slice %arg2[%add3A, %dma_wait3A_131, %dma_wait3A_132, %dma_wait3A_133] : memref<32x32x2x104xi32, #tpu.memory_space<hbm>> -> memref<1x32x2x104xi32, #tpu.memory_space<hbm>>
      %dma_wait3A_135 = tpu.memref_squeeze %dma_wait3A_134 : memref<1x32x2x104xi32, #tpu.memory_space<hbm>> -> memref<32x2x104xi32, #tpu.memory_space<hbm>>
      tpu.wait_dma2 semaphore(%run_scoped3A : memref<!tpu.dma_semaphore, #tpu.memory_space<semaphore_mem>>) src(%dma_wait3A_135 : memref<32x2x104xi32, #tpu.memory_space<hbm>>) dst(%arg6 : memref<32x2x104xi32, #tpu.memory_space<vmem>>)
      tpu.yield
    }) : () -> ()
    %eq3A = arith.constant 0 : i32
    %eq3A_3 = arith.cmpi eq, %arg1, %eq3A : i32
    %convert_element_type3A = arith.extui %eq3A_3 : i1 to i32
    %cond3A = arith.constant 0 : i32
    %cond3A_4 = arith.cmpi ne, %convert_element_type3A, %cond3A : i32
    scf.if %cond3A_4 {
      "tpu.region"() ({
        %run_scoped3A = tpu.sem_alloc : memref<!tpu.dma_semaphore, #tpu.memory_space<semaphore_mem>>
        tpu.enqueue_dma source(%arg4 : memref<200x128xf32, #tpu.memory_space<hbm>>) target(%arg7 : memref<200x128xf32, #tpu.memory_space<vmem_shared>>) target_semaphore(%run_scoped3A : memref<!tpu.dma_semaphore, #tpu.memory_space<semaphore_mem>>)
        tpu.wait_dma2 semaphore(%run_scoped3A : memref<!tpu.dma_semaphore, #tpu.memory_space<semaphore_mem>>) src(%arg4 : memref<200x128xf32, #tpu.memory_space<hbm>>) dst(%arg7 : memref<200x128xf32, #tpu.memory_space<vmem_shared>>)
        tpu.yield
      }) : () -> ()
    } else {
    }
    %barrier3A = arith.constant 0 : index
    tpu.barrier barrier_id(%barrier3A)
    %dma_start3A = arith.constant 0 : i32
    %dma_start3A_5 = tpu.memref_slice %arg12[%dma_start3A] : memref<4x!tpu.dma_semaphore, #tpu.memory_space<semaphore_mem>> -> memref<1x!tpu.dma_semaphore, #tpu.memory_space<semaphore_mem>>
    %dma_start3A_6 = tpu.memref_squeeze %dma_start3A_5 : memref<1x!tpu.dma_semaphore, #tpu.memory_space<semaphore_mem>> -> memref<!tpu.dma_semaphore, #tpu.memory_space<semaphore_mem>>
    tpu.enqueue_dma source(%arg7 : memref<200x128xf32, #tpu.memory_space<vmem_shared>>) target(%arg8 : memref<200x128xf32, #tpu.memory_space<vmem>>) target_semaphore(%dma_start3A_6 : memref<!tpu.dma_semaphore, #tpu.memory_space<semaphore_mem>>)
    %dma_start3A_7 = arith.constant 1 : i32
    %dma_start3A_8 = tpu.memref_slice %arg12[%dma_start3A_7] : memref<4x!tpu.dma_semaphore, #tpu.memory_space<semaphore_mem>> -> memref<1x!tpu.dma_semaphore, #tpu.memory_space<semaphore_mem>>
    %dma_start3A_9 = tpu.memref_squeeze %dma_start3A_8 : memref<1x!tpu.dma_semaphore, #tpu.memory_space<semaphore_mem>> -> memref<!tpu.dma_semaphore, #tpu.memory_space<semaphore_mem>>
    tpu.enqueue_dma source(%arg7 : memref<200x128xf32, #tpu.memory_space<vmem_shared>>) target(%arg9 : memref<200x128xf32, #tpu.memory_space<vmem>>) target_semaphore(%dma_start3A_9 : memref<!tpu.dma_semaphore, #tpu.memory_space<semaphore_mem>>)
    %dma_start3A_10 = arith.constant 2 : i32
    %dma_start3A_11 = tpu.memref_slice %arg12[%dma_start3A_10] : memref<4x!tpu.dma_semaphore, #tpu.memory_space<semaphore_mem>> -> memref<1x!tpu.dma_semaphore, #tpu.memory_space<semaphore_mem>>
    %dma_start3A_12 = tpu.memref_squeeze %dma_start3A_11 : memref<1x!tpu.dma_semaphore, #tpu.memory_space<semaphore_mem>> -> memref<!tpu.dma_semaphore, #tpu.memory_space<semaphore_mem>>
    tpu.enqueue_dma source(%arg7 : memref<200x128xf32, #tpu.memory_space<vmem_shared>>) target(%arg10 : memref<200x128xf32, #tpu.memory_space<vmem>>) target_semaphore(%dma_start3A_12 : memref<!tpu.dma_semaphore, #tpu.memory_space<semaphore_mem>>)
    %dma_wait3A = arith.constant 0 : i32
    %dma_wait3A_13 = tpu.memref_slice %arg12[%dma_wait3A] : memref<4x!tpu.dma_semaphore, #tpu.memory_space<semaphore_mem>> -> memref<1x!tpu.dma_semaphore, #tpu.memory_space<semaphore_mem>>
    %dma_wait3A_14 = tpu.memref_squeeze %dma_wait3A_13 : memref<1x!tpu.dma_semaphore, #tpu.memory_space<semaphore_mem>> -> memref<!tpu.dma_semaphore, #tpu.memory_space<semaphore_mem>>
    tpu.wait_dma2 semaphore(%dma_wait3A_14 : memref<!tpu.dma_semaphore, #tpu.memory_space<semaphore_mem>>) src(%arg7 : memref<200x128xf32, #tpu.memory_space<vmem_shared>>) dst(%arg8 : memref<200x128xf32, #tpu.memory_space<vmem>>)
    %dma_start3A_15 = arith.constant 0 : i32
    %dma_start3A_16 = arith.constant 0 : i32
    %dma_start3A_17 = arith.constant 0 : i32
    %dma_start3A_18 = arith.constant 0 : i32
    %dma_start3A_19 = arith.constant 0 : i32
    %dma_start3A_20 = tpu.memref_slice %arg8[%dma_start3A_18, %dma_start3A_19] : memref<200x128xf32, #tpu.memory_space<vmem>> -> memref<104x128xf32, #tpu.memory_space<vmem>>
    %dma_start3A_21 = arith.constant 0 : i32
    %dma_start3A_22 = tpu.memref_slice %arg6[%dma_start3A_15, %dma_start3A_16, %dma_start3A_21] : memref<32x2x104xi32, #tpu.memory_space<vmem>> -> memref<1x1x104xi32, #tpu.memory_space<vmem>>
    %dma_start3A_23 = tpu.memref_squeeze %dma_start3A_22 : memref<1x1x104xi32, #tpu.memory_space<vmem>> -> memref<104xi32, #tpu.memory_space<vmem>>
    %dma_start3A_24 = arith.constant 0 : i32
    %dma_start3A_25 = arith.constant 0 : i32
    %dma_start3A_26 = tpu.memref_slice %arg3[%dma_start3A_24, %dma_start3A_25] : memref<100000x128xf32, #tpu.memory_space<hbm>> -> memref<100000x128xf32, #tpu.memory_space<hbm>>
    %dma_start3A_27 = tpu.memref_slice %arg13[%dma_start3A_17] : memref<4x!tpu.dma_semaphore, #tpu.memory_space<semaphore_mem>> -> memref<1x!tpu.dma_semaphore, #tpu.memory_space<semaphore_mem>>
    %dma_start3A_28 = tpu.memref_squeeze %dma_start3A_27 : memref<1x!tpu.dma_semaphore, #tpu.memory_space<semaphore_mem>> -> memref<!tpu.dma_semaphore, #tpu.memory_space<semaphore_mem>>
    tpu.enqueue_indirect_dma source(%dma_start3A_26 : memref<100000x128xf32, #tpu.memory_space<hbm>>) target(%dma_start3A_20 : memref<104x128xf32, #tpu.memory_space<vmem>>) offsets(%dma_start3A_23 : memref<104xi32, #tpu.memory_space<vmem>>) semaphore(%dma_start3A_28 : memref<!tpu.dma_semaphore, #tpu.memory_space<semaphore_mem>>) {add = true}
    %dma_start3A_29 = arith.constant 0 : i32
    %dma_start3A_30 = arith.constant 1 : i32
    %dma_start3A_31 = arith.constant 0 : i32
    %dma_start3A_32 = arith.constant 104 : i32
    %dma_start3A_33 = arith.constant 0 : i32
    %dma_start3A_34 = tpu.memref_slice %arg8[%dma_start3A_32, %dma_start3A_33] : memref<200x128xf32, #tpu.memory_space<vmem>> -> memref<96x128xf32, #tpu.memory_space<vmem>>
    %dma_start3A_35 = arith.constant 0 : i32
    %dma_start3A_36 = tpu.memref_slice %arg6[%dma_start3A_29, %dma_start3A_30, %dma_start3A_35] : memref<32x2x104xi32, #tpu.memory_space<vmem>> -> memref<1x1x96xi32, #tpu.memory_space<vmem>>
    %dma_start3A_37 = tpu.memref_squeeze %dma_start3A_36 : memref<1x1x96xi32, #tpu.memory_space<vmem>> -> memref<96xi32, #tpu.memory_space<vmem>>
    %dma_start3A_38 = arith.constant 0 : i32
    %dma_start3A_39 = arith.constant 0 : i32
    %dma_start3A_40 = tpu.memref_slice %arg3[%dma_start3A_38, %dma_start3A_39] : memref<100000x128xf32, #tpu.memory_space<hbm>> -> memref<100000x128xf32, #tpu.memory_space<hbm>>
    %dma_start3A_41 = tpu.memref_slice %arg13[%dma_start3A_31] : memref<4x!tpu.dma_semaphore, #tpu.memory_space<semaphore_mem>> -> memref<1x!tpu.dma_semaphore, #tpu.memory_space<semaphore_mem>>
    %dma_start3A_42 = tpu.memref_squeeze %dma_start3A_41 : memref<1x!tpu.dma_semaphore, #tpu.memory_space<semaphore_mem>> -> memref<!tpu.dma_semaphore, #tpu.memory_space<semaphore_mem>>
    tpu.enqueue_indirect_dma source(%dma_start3A_40 : memref<100000x128xf32, #tpu.memory_space<hbm>>) target(%dma_start3A_34 : memref<96x128xf32, #tpu.memory_space<vmem>>) offsets(%dma_start3A_37 : memref<96xi32, #tpu.memory_space<vmem>>) semaphore(%dma_start3A_42 : memref<!tpu.dma_semaphore, #tpu.memory_space<semaphore_mem>>) {add = true}
    %scan3A = arith.constant 0 : i32
    %scan3A_43 = arith.constant 0 : i32
    %scan3A_44 = arith.constant 8 : i32
    %scan3A_45 = arith.addi %scan3A_43, %scan3A_44 : i32
    %scan3A_46 = arith.constant 1 : i32
    scf.for %scan3A_116 = %scan3A_43 to %scan3A_45 step %scan3A_46  : i32 {
      %mul3A_117 = arith.constant 4 : i32
      %mul3A_118 = arith.muli %mul3A_117, %scan3A_116 : i32
      %add3A_119 = arith.constant 0 : i32
      %add3A_120 = arith.addi %mul3A_118, %add3A_119 : i32
      %dma_wait3A_121 = arith.constant 1 : i32
      %dma_wait3A_122 = tpu.memref_slice %arg12[%dma_wait3A_121] : memref<4x!tpu.dma_semaphore, #tpu.memory_space<semaphore_mem>> -> memref<1x!tpu.dma_semaphore, #tpu.memory_space<semaphore_mem>>
      %dma_wait3A_123 = tpu.memref_squeeze %dma_wait3A_122 : memref<1x!tpu.dma_semaphore, #tpu.memory_space<semaphore_mem>> -> memref<!tpu.dma_semaphore, #tpu.memory_space<semaphore_mem>>
      tpu.wait_dma2 semaphore(%dma_wait3A_123 : memref<!tpu.dma_semaphore, #tpu.memory_space<semaphore_mem>>) src(%arg7 : memref<200x128xf32, #tpu.memory_space<vmem_shared>>) dst(%arg9 : memref<200x128xf32, #tpu.memory_space<vmem>>)
      %add3A_124 = arith.constant 1 : i32
      %add3A_125 = arith.addi %add3A_120, %add3A_124 : i32
      %dma_start3A_126 = arith.constant 0 : i32
      %dma_start3A_127 = arith.constant 1 : i32
      %dma_start3A_128 = arith.constant 0 : i32
      %dma_start3A_129 = arith.constant 0 : i32
      %dma_start3A_130 = tpu.memref_slice %arg9[%dma_start3A_128, %dma_start3A_129] : memref<200x128xf32, #tpu.memory_space<vmem>> -> memref<104x128xf32, #tpu.memory_space<vmem>>
      %dma_start3A_131 = arith.constant 0 : i32
      %dma_start3A_132 = tpu.memref_slice %arg6[%add3A_125, %dma_start3A_126, %dma_start3A_131] : memref<32x2x104xi32, #tpu.memory_space<vmem>> -> memref<1x1x104xi32, #tpu.memory_space<vmem>>
      %dma_start3A_133 = tpu.memref_squeeze %dma_start3A_132 : memref<1x1x104xi32, #tpu.memory_space<vmem>> -> memref<104xi32, #tpu.memory_space<vmem>>
      %dma_start3A_134 = arith.constant 0 : i32
      %dma_start3A_135 = arith.constant 0 : i32
      %dma_start3A_136 = tpu.memref_slice %arg3[%dma_start3A_134, %dma_start3A_135] : memref<100000x128xf32, #tpu.memory_space<hbm>> -> memref<100000x128xf32, #tpu.memory_space<hbm>>
      %dma_start3A_137 = tpu.memref_slice %arg13[%dma_start3A_127] : memref<4x!tpu.dma_semaphore, #tpu.memory_space<semaphore_mem>> -> memref<1x!tpu.dma_semaphore, #tpu.memory_space<semaphore_mem>>
      %dma_start3A_138 = tpu.memref_squeeze %dma_start3A_137 : memref<1x!tpu.dma_semaphore, #tpu.memory_space<semaphore_mem>> -> memref<!tpu.dma_semaphore, #tpu.memory_space<semaphore_mem>>
      tpu.enqueue_indirect_dma source(%dma_start3A_136 : memref<100000x128xf32, #tpu.memory_space<hbm>>) target(%dma_start3A_130 : memref<104x128xf32, #tpu.memory_space<vmem>>) offsets(%dma_start3A_133 : memref<104xi32, #tpu.memory_space<vmem>>) semaphore(%dma_start3A_138 : memref<!tpu.dma_semaphore, #tpu.memory_space<semaphore_mem>>) {add = true}
      %dma_start3A_139 = arith.constant 1 : i32
      %dma_start3A_140 = arith.constant 1 : i32
      %dma_start3A_141 = arith.constant 104 : i32
      %dma_start3A_142 = arith.constant 0 : i32
      %dma_start3A_143 = tpu.memref_slice %arg9[%dma_start3A_141, %dma_start3A_142] : memref<200x128xf32, #tpu.memory_space<vmem>> -> memref<96x128xf32, #tpu.memory_space<vmem>>
      %dma_start3A_144 = arith.constant 0 : i32
      %dma_start3A_145 = tpu.memref_slice %arg6[%add3A_125, %dma_start3A_139, %dma_start3A_144] : memref<32x2x104xi32, #tpu.memory_space<vmem>> -> memref<1x1x96xi32, #tpu.memory_space<vmem>>
      %dma_start3A_146 = tpu.memref_squeeze %dma_start3A_145 : memref<1x1x96xi32, #tpu.memory_space<vmem>> -> memref<96xi32, #tpu.memory_space<vmem>>
      %dma_start3A_147 = arith.constant 0 : i32
      %dma_start3A_148 = arith.constant 0 : i32
      %dma_start3A_149 = tpu.memref_slice %arg3[%dma_start3A_147, %dma_start3A_148] : memref<100000x128xf32, #tpu.memory_space<hbm>> -> memref<100000x128xf32, #tpu.memory_space<hbm>>
      %dma_start3A_150 = tpu.memref_slice %arg13[%dma_start3A_140] : memref<4x!tpu.dma_semaphore, #tpu.memory_space<semaphore_mem>> -> memref<1x!tpu.dma_semaphore, #tpu.memory_space<semaphore_mem>>
      %dma_start3A_151 = tpu.memref_squeeze %dma_start3A_150 : memref<1x!tpu.dma_semaphore, #tpu.memory_space<semaphore_mem>> -> memref<!tpu.dma_semaphore, #tpu.memory_space<semaphore_mem>>
      tpu.enqueue_indirect_dma source(%dma_start3A_149 : memref<100000x128xf32, #tpu.memory_space<hbm>>) target(%dma_start3A_143 : memref<96x128xf32, #tpu.memory_space<vmem>>) offsets(%dma_start3A_146 : memref<96xi32, #tpu.memory_space<vmem>>) semaphore(%dma_start3A_151 : memref<!tpu.dma_semaphore, #tpu.memory_space<semaphore_mem>>) {add = true}
      %dma_wait3A_152 = arith.constant 0 : i32
      %dma_wait3A_153 = arith.constant 0 : i32
      %dma_wait3A_154 = arith.constant 0 : i32
      %dma_wait3A_155 = arith.constant 0 : i32
      %dma_wait3A_156 = tpu.memref_slice %arg8[%dma_wait3A_154, %dma_wait3A_155] : memref<200x128xf32, #tpu.memory_space<vmem>> -> memref<104x128xf32, #tpu.memory_space<vmem>>
      %dma_wait3A_157 = arith.constant 0 : i32
      %dma_wait3A_158 = tpu.memref_slice %arg6[%add3A_120, %dma_wait3A_152, %dma_wait3A_157] : memref<32x2x104xi32, #tpu.memory_space<vmem>> -> memref<1x1x104xi32, #tpu.memory_space<vmem>>
      %dma_wait3A_159 = tpu.memref_squeeze %dma_wait3A_158 : memref<1x1x104xi32, #tpu.memory_space<vmem>> -> memref<104xi32, #tpu.memory_space<vmem>>
      %dma_wait3A_160 = arith.constant 0 : i32
      %dma_wait3A_161 = arith.constant 0 : i32
      %dma_wait3A_162 = tpu.memref_slice %arg3[%dma_wait3A_160, %dma_wait3A_161] : memref<100000x128xf32, #tpu.memory_space<hbm>> -> memref<100000x128xf32, #tpu.memory_space<hbm>>
      %dma_wait3A_163 = tpu.memref_slice %arg13[%dma_wait3A_153] : memref<4x!tpu.dma_semaphore, #tpu.memory_space<semaphore_mem>> -> memref<1x!tpu.dma_semaphore, #tpu.memory_space<semaphore_mem>>
      %dma_wait3A_164 = tpu.memref_squeeze %dma_wait3A_163 : memref<1x!tpu.dma_semaphore, #tpu.memory_space<semaphore_mem>> -> memref<!tpu.dma_semaphore, #tpu.memory_space<semaphore_mem>>
      tpu.wait_indirect_dma semaphore(%dma_wait3A_164 : memref<!tpu.dma_semaphore, #tpu.memory_space<semaphore_mem>>) src(%dma_wait3A_162 : memref<100000x128xf32, #tpu.memory_space<hbm>>) dst(%dma_wait3A_156 : memref<104x128xf32, #tpu.memory_space<vmem>>)
      %add3A_165 = arith.addi %mul3A_2, %add3A_120 : i32
      %dma_start3A_166 = arith.constant 0 : i32
      %dma_start3A_167 = arith.constant 0 : i32
      %dma_start3A_168 = arith.constant 0 : i32
      %dma_start3A_169 = tpu.memref_slice %arg8[%dma_start3A_167, %dma_start3A_168] : memref<200x128xf32, #tpu.memory_space<vmem>> -> memref<104x128xf32, #tpu.memory_space<vmem>>
      %dma_start3A_170 = arith.constant 0 : i32
      %dma_start3A_171 = arith.constant 0 : i32
      %dma_start3A_172 = tpu.memref_slice %arg5[%add3A_165, %dma_start3A_170, %dma_start3A_171] : memref<1024x200x128xf32, #tpu.memory_space<hbm>> -> memref<1x104x128xf32, #tpu.memory_space<hbm>>
      %dma_start3A_173 = tpu.memref_squeeze %dma_start3A_172 : memref<1x104x128xf32, #tpu.memory_space<hbm>> -> memref<104x128xf32, #tpu.memory_space<hbm>>
      %dma_start3A_174 = tpu.memref_slice %arg14[%dma_start3A_166] : memref<4x!tpu.dma_semaphore, #tpu.memory_space<semaphore_mem>> -> memref<1x!tpu.dma_semaphore, #tpu.memory_space<semaphore_mem>>
      %dma_start3A_175 = tpu.memref_squeeze %dma_start3A_174 : memref<1x!tpu.dma_semaphore, #tpu.memory_space<semaphore_mem>> -> memref<!tpu.dma_semaphore, #tpu.memory_space<semaphore_mem>>
      %dma_start3A_176 = arith.constant 0 : i32
      %dma_start3A_177 = arith.constant 0 : i32
      %dma_start3A_178 = tpu.memref_slice %arg5[%add3A_165, %dma_start3A_176, %dma_start3A_177] : memref<1024x200x128xf32, #tpu.memory_space<hbm>> -> memref<1x104x128xf32, #tpu.memory_space<hbm>>
      %dma_start3A_179 = tpu.memref_squeeze %dma_start3A_178 : memref<1x104x128xf32, #tpu.memory_space<hbm>> -> memref<104x128xf32, #tpu.memory_space<hbm>>
      %dma_start3A_180 = arith.constant 0 : i32
      %dma_start3A_181 = arith.constant 0 : i32
      %dma_start3A_182 = tpu.memref_slice %arg8[%dma_start3A_180, %dma_start3A_181] : memref<200x128xf32, #tpu.memory_space<vmem>> -> memref<104x128xf32, #tpu.memory_space<vmem>>
      tpu.enqueue_dma source(%dma_start3A_182 : memref<104x128xf32, #tpu.memory_space<vmem>>) target(%dma_start3A_179 : memref<104x128xf32, #tpu.memory_space<hbm>>) target_semaphore(%dma_start3A_175 : memref<!tpu.dma_semaphore, #tpu.memory_space<semaphore_mem>>)
      %dma_wait3A_183 = arith.constant 1 : i32
      %dma_wait3A_184 = arith.constant 0 : i32
      %dma_wait3A_185 = arith.constant 104 : i32
      %dma_wait3A_186 = arith.constant 0 : i32
      %dma_wait3A_187 = tpu.memref_slice %arg8[%dma_wait3A_185, %dma_wait3A_186] : memref<200x128xf32, #tpu.memory_space<vmem>> -> memref<96x128xf32, #tpu.memory_space<vmem>>
      %dma_wait3A_188 = arith.constant 0 : i32
      %dma_wait3A_189 = tpu.memref_slice %arg6[%add3A_120, %dma_wait3A_183, %dma_wait3A_188] : memref<32x2x104xi32, #tpu.memory_space<vmem>> -> memref<1x1x96xi32, #tpu.memory_space<vmem>>
      %dma_wait3A_190 = tpu.memref_squeeze %dma_wait3A_189 : memref<1x1x96xi32, #tpu.memory_space<vmem>> -> memref<96xi32, #tpu.memory_space<vmem>>
      %dma_wait3A_191 = arith.constant 0 : i32
      %dma_wait3A_192 = arith.constant 0 : i32
      %dma_wait3A_193 = tpu.memref_slice %arg3[%dma_wait3A_191, %dma_wait3A_192] : memref<100000x128xf32, #tpu.memory_space<hbm>> -> memref<100000x128xf32, #tpu.memory_space<hbm>>
      %dma_wait3A_194 = tpu.memref_slice %arg13[%dma_wait3A_184] : memref<4x!tpu.dma_semaphore, #tpu.memory_space<semaphore_mem>> -> memref<1x!tpu.dma_semaphore, #tpu.memory_space<semaphore_mem>>
      %dma_wait3A_195 = tpu.memref_squeeze %dma_wait3A_194 : memref<1x!tpu.dma_semaphore, #tpu.memory_space<semaphore_mem>> -> memref<!tpu.dma_semaphore, #tpu.memory_space<semaphore_mem>>
      tpu.wait_indirect_dma semaphore(%dma_wait3A_195 : memref<!tpu.dma_semaphore, #tpu.memory_space<semaphore_mem>>) src(%dma_wait3A_193 : memref<100000x128xf32, #tpu.memory_space<hbm>>) dst(%dma_wait3A_187 : memref<96x128xf32, #tpu.memory_space<vmem>>)
      %add3A_196 = arith.addi %mul3A_2, %add3A_120 : i32
      %dma_start3A_197 = arith.constant 0 : i32
      %dma_start3A_198 = arith.constant 104 : i32
      %dma_start3A_199 = arith.constant 0 : i32
      %dma_start3A_200 = tpu.memref_slice %arg8[%dma_start3A_198, %dma_start3A_199] : memref<200x128xf32, #tpu.memory_space<vmem>> -> memref<96x128xf32, #tpu.memory_space<vmem>>
      %dma_start3A_201 = arith.constant 104 : i32
      %dma_start3A_202 = arith.constant 0 : i32
      %dma_start3A_203 = tpu.memref_slice %arg5[%add3A_196, %dma_start3A_201, %dma_start3A_202] : memref<1024x200x128xf32, #tpu.memory_space<hbm>> -> memref<1x96x128xf32, #tpu.memory_space<hbm>>
      %dma_start3A_204 = tpu.memref_squeeze %dma_start3A_203 : memref<1x96x128xf32, #tpu.memory_space<hbm>> -> memref<96x128xf32, #tpu.memory_space<hbm>>
      %dma_start3A_205 = tpu.memref_slice %arg14[%dma_start3A_197] : memref<4x!tpu.dma_semaphore, #tpu.memory_space<semaphore_mem>> -> memref<1x!tpu.dma_semaphore, #tpu.memory_space<semaphore_mem>>
      %dma_start3A_206 = tpu.memref_squeeze %dma_start3A_205 : memref<1x!tpu.dma_semaphore, #tpu.memory_space<semaphore_mem>> -> memref<!tpu.dma_semaphore, #tpu.memory_space<semaphore_mem>>
      %dma_start3A_207 = arith.constant 104 : i32
      %dma_start3A_208 = arith.constant 0 : i32
      %dma_start3A_209 = tpu.memref_slice %arg5[%add3A_196, %dma_start3A_207, %dma_start3A_208] : memref<1024x200x128xf32, #tpu.memory_space<hbm>> -> memref<1x96x128xf32, #tpu.memory_space<hbm>>
      %dma_start3A_210 = tpu.memref_squeeze %dma_start3A_209 : memref<1x96x128xf32, #tpu.memory_space<hbm>> -> memref<96x128xf32, #tpu.memory_space<hbm>>
      %dma_start3A_211 = arith.constant 104 : i32
      %dma_start3A_212 = arith.constant 0 : i32
      %dma_start3A_213 = tpu.memref_slice %arg8[%dma_start3A_211, %dma_start3A_212] : memref<200x128xf32, #tpu.memory_space<vmem>> -> memref<96x128xf32, #tpu.memory_space<vmem>>
      tpu.enqueue_dma source(%dma_start3A_213 : memref<96x128xf32, #tpu.memory_space<vmem>>) target(%dma_start3A_210 : memref<96x128xf32, #tpu.memory_space<hbm>>) target_semaphore(%dma_start3A_206 : memref<!tpu.dma_semaphore, #tpu.memory_space<semaphore_mem>>)
      %gt3A = arith.constant 0 : i32
      %gt3A_214 = arith.cmpi sgt, %scan3A_116, %gt3A : i32
      %convert_element_type3A_215 = arith.extui %gt3A_214 : i1 to i32
      %cond3A_216 = arith.constant 0 : i32
      %cond3A_217 = arith.cmpi ne, %convert_element_type3A_215, %cond3A_216 : i32
      scf.if %cond3A_217 {
        %dma_wait3A_577 = arith.constant 2 : i32
        %dma_wait3A_578 = arith.constant 0 : i32
        %dma_wait3A_579 = arith.constant 0 : i32
        %dma_wait3A_580 = tpu.memref_slice %arg10[%dma_wait3A_578, %dma_wait3A_579] : memref<200x128xf32, #tpu.memory_space<vmem>> -> memref<104x128xf32, #tpu.memory_space<vmem>>
        %dma_wait3A_581 = arith.constant 0 : i32
        %dma_wait3A_582 = arith.constant 0 : i32
        %dma_wait3A_583 = tpu.memref_slice %arg5[%mul3A_2, %dma_wait3A_581, %dma_wait3A_582] : memref<1024x200x128xf32, #tpu.memory_space<hbm>> -> memref<1x104x128xf32, #tpu.memory_space<hbm>>
        %dma_wait3A_584 = tpu.memref_squeeze %dma_wait3A_583 : memref<1x104x128xf32, #tpu.memory_space<hbm>> -> memref<104x128xf32, #tpu.memory_space<hbm>>
        %dma_wait3A_585 = tpu.memref_slice %arg14[%dma_wait3A_577] : memref<4x!tpu.dma_semaphore, #tpu.memory_space<semaphore_mem>> -> memref<1x!tpu.dma_semaphore, #tpu.memory_space<semaphore_mem>>
        %dma_wait3A_586 = tpu.memref_squeeze %dma_wait3A_585 : memref<1x!tpu.dma_semaphore, #tpu.memory_space<semaphore_mem>> -> memref<!tpu.dma_semaphore, #tpu.memory_space<semaphore_mem>>
        %dma_wait3A_587 = arith.constant 0 : i32
        %dma_wait3A_588 = arith.constant 0 : i32
        %dma_wait3A_589 = tpu.memref_slice %arg5[%mul3A_2, %dma_wait3A_587, %dma_wait3A_588] : memref<1024x200x128xf32, #tpu.memory_space<hbm>> -> memref<1x104x128xf32, #tpu.memory_space<hbm>>
        %dma_wait3A_590 = tpu.memref_squeeze %dma_wait3A_589 : memref<1x104x128xf32, #tpu.memory_space<hbm>> -> memref<104x128xf32, #tpu.memory_space<hbm>>
        %dma_wait3A_591 = arith.constant 0 : i32
        %dma_wait3A_592 = arith.constant 0 : i32
        %dma_wait3A_593 = tpu.memref_slice %arg10[%dma_wait3A_591, %dma_wait3A_592] : memref<200x128xf32, #tpu.memory_space<vmem>> -> memref<104x128xf32, #tpu.memory_space<vmem>>
        tpu.wait_dma2 semaphore(%dma_wait3A_586 : memref<!tpu.dma_semaphore, #tpu.memory_space<semaphore_mem>>) src(%dma_wait3A_593 : memref<104x128xf32, #tpu.memory_space<vmem>>) dst(%dma_wait3A_590 : memref<104x128xf32, #tpu.memory_space<hbm>>)
        %dma_wait3A_594 = arith.constant 2 : i32
        %dma_wait3A_595 = arith.constant 104 : i32
        %dma_wait3A_596 = arith.constant 0 : i32
        %dma_wait3A_597 = tpu.memref_slice %arg10[%dma_wait3A_595, %dma_wait3A_596] : memref<200x128xf32, #tpu.memory_space<vmem>> -> memref<96x128xf32, #tpu.memory_space<vmem>>
        %dma_wait3A_598 = arith.constant 104 : i32
        %dma_wait3A_599 = arith.constant 0 : i32
        %dma_wait3A_600 = tpu.memref_slice %arg5[%mul3A_2, %dma_wait3A_598, %dma_wait3A_599] : memref<1024x200x128xf32, #tpu.memory_space<hbm>> -> memref<1x96x128xf32, #tpu.memory_space<hbm>>
        %dma_wait3A_601 = tpu.memref_squeeze %dma_wait3A_600 : memref<1x96x128xf32, #tpu.memory_space<hbm>> -> memref<96x128xf32, #tpu.memory_space<hbm>>
        %dma_wait3A_602 = tpu.memref_slice %arg14[%dma_wait3A_594] : memref<4x!tpu.dma_semaphore, #tpu.memory_space<semaphore_mem>> -> memref<1x!tpu.dma_semaphore, #tpu.memory_space<semaphore_mem>>
        %dma_wait3A_603 = tpu.memref_squeeze %dma_wait3A_602 : memref<1x!tpu.dma_semaphore, #tpu.memory_space<semaphore_mem>> -> memref<!tpu.dma_semaphore, #tpu.memory_space<semaphore_mem>>
        %dma_wait3A_604 = arith.constant 104 : i32
        %dma_wait3A_605 = arith.constant 0 : i32
        %dma_wait3A_606 = tpu.memref_slice %arg5[%mul3A_2, %dma_wait3A_604, %dma_wait3A_605] : memref<1024x200x128xf32, #tpu.memory_space<hbm>> -> memref<1x96x128xf32, #tpu.memory_space<hbm>>
        %dma_wait3A_607 = tpu.memref_squeeze %dma_wait3A_606 : memref<1x96x128xf32, #tpu.memory_space<hbm>> -> memref<96x128xf32, #tpu.memory_space<hbm>>
        %dma_wait3A_608 = arith.constant 104 : i32
        %dma_wait3A_609 = arith.constant 0 : i32
        %dma_wait3A_610 = tpu.memref_slice %arg10[%dma_wait3A_608, %dma_wait3A_609] : memref<200x128xf32, #tpu.memory_space<vmem>> -> memref<96x128xf32, #tpu.memory_space<vmem>>
        tpu.wait_dma2 semaphore(%dma_wait3A_603 : memref<!tpu.dma_semaphore, #tpu.memory_space<semaphore_mem>>) src(%dma_wait3A_610 : memref<96x128xf32, #tpu.memory_space<vmem>>) dst(%dma_wait3A_607 : memref<96x128xf32, #tpu.memory_space<hbm>>)
      } else {
      }
      %gt3A_218 = arith.constant 0 : i32
      %gt3A_219 = arith.cmpi sgt, %scan3A_116, %gt3A_218 : i32
      %convert_element_type3A_220 = arith.extui %gt3A_219 : i1 to i32
      %cond3A_221 = arith.constant 0 : i32
      %cond3A_222 = arith.cmpi ne, %convert_element_type3A_220, %cond3A_221 : i32
      scf.if %cond3A_222 {
        %dma_start3A_577 = arith.constant 2 : i32
        %dma_start3A_578 = tpu.memref_slice %arg12[%dma_start3A_577] : memref<4x!tpu.dma_semaphore, #tpu.memory_space<semaphore_mem>> -> memref<1x!tpu.dma_semaphore, #tpu.memory_space<semaphore_mem>>
        %dma_start3A_579 = tpu.memref_squeeze %dma_start3A_578 : memref<1x!tpu.dma_semaphore, #tpu.memory_space<semaphore_mem>> -> memref<!tpu.dma_semaphore, #tpu.memory_space<semaphore_mem>>
        tpu.enqueue_dma source(%arg7 : memref<200x128xf32, #tpu.memory_space<vmem_shared>>) target(%arg10 : memref<200x128xf32, #tpu.memory_space<vmem>>) target_semaphore(%dma_start3A_579 : memref<!tpu.dma_semaphore, #tpu.memory_space<semaphore_mem>>)
      } else {
      }
      %mul3A_223 = arith.constant 4 : i32
      %mul3A_224 = arith.muli %mul3A_223, %scan3A_116 : i32
      %add3A_225 = arith.constant 1 : i32
      %add3A_226 = arith.addi %mul3A_224, %add3A_225 : i32
      %dma_wait3A_227 = arith.constant 2 : i32
      %dma_wait3A_228 = tpu.memref_slice %arg12[%dma_wait3A_227] : memref<4x!tpu.dma_semaphore, #tpu.memory_space<semaphore_mem>> -> memref<1x!tpu.dma_semaphore, #tpu.memory_space<semaphore_mem>>
      %dma_wait3A_229 = tpu.memref_squeeze %dma_wait3A_228 : memref<1x!tpu.dma_semaphore, #tpu.memory_space<semaphore_mem>> -> memref<!tpu.dma_semaphore, #tpu.memory_space<semaphore_mem>>
      tpu.wait_dma2 semaphore(%dma_wait3A_229 : memref<!tpu.dma_semaphore, #tpu.memory_space<semaphore_mem>>) src(%arg7 : memref<200x128xf32, #tpu.memory_space<vmem_shared>>) dst(%arg10 : memref<200x128xf32, #tpu.memory_space<vmem>>)
      %add3A_230 = arith.constant 1 : i32
      %add3A_231 = arith.addi %add3A_226, %add3A_230 : i32
      %dma_start3A_232 = arith.constant 0 : i32
      %dma_start3A_233 = arith.constant 2 : i32
      %dma_start3A_234 = arith.constant 0 : i32
      %dma_start3A_235 = arith.constant 0 : i32
      %dma_start3A_236 = tpu.memref_slice %arg10[%dma_start3A_234, %dma_start3A_235] : memref<200x128xf32, #tpu.memory_space<vmem>> -> memref<104x128xf32, #tpu.memory_space<vmem>>
      %dma_start3A_237 = arith.constant 0 : i32
      %dma_start3A_238 = tpu.memref_slice %arg6[%add3A_231, %dma_start3A_232, %dma_start3A_237] : memref<32x2x104xi32, #tpu.memory_space<vmem>> -> memref<1x1x104xi32, #tpu.memory_space<vmem>>
      %dma_start3A_239 = tpu.memref_squeeze %dma_start3A_238 : memref<1x1x104xi32, #tpu.memory_space<vmem>> -> memref<104xi32, #tpu.memory_space<vmem>>
      %dma_start3A_240 = arith.constant 0 : i32
      %dma_start3A_241 = arith.constant 0 : i32
      %dma_start3A_242 = tpu.memref_slice %arg3[%dma_start3A_240, %dma_start3A_241] : memref<100000x128xf32, #tpu.memory_space<hbm>> -> memref<100000x128xf32, #tpu.memory_space<hbm>>
      %dma_start3A_243 = tpu.memref_slice %arg13[%dma_start3A_233] : memref<4x!tpu.dma_semaphore, #tpu.memory_space<semaphore_mem>> -> memref<1x!tpu.dma_semaphore, #tpu.memory_space<semaphore_mem>>
      %dma_start3A_244 = tpu.memref_squeeze %dma_start3A_243 : memref<1x!tpu.dma_semaphore, #tpu.memory_space<semaphore_mem>> -> memref<!tpu.dma_semaphore, #tpu.memory_space<semaphore_mem>>
      tpu.enqueue_indirect_dma source(%dma_start3A_242 : memref<100000x128xf32, #tpu.memory_space<hbm>>) target(%dma_start3A_236 : memref<104x128xf32, #tpu.memory_space<vmem>>) offsets(%dma_start3A_239 : memref<104xi32, #tpu.memory_space<vmem>>) semaphore(%dma_start3A_244 : memref<!tpu.dma_semaphore, #tpu.memory_space<semaphore_mem>>) {add = true}
      %dma_start3A_245 = arith.constant 1 : i32
      %dma_start3A_246 = arith.constant 2 : i32
      %dma_start3A_247 = arith.constant 104 : i32
      %dma_start3A_248 = arith.constant 0 : i32
      %dma_start3A_249 = tpu.memref_slice %arg10[%dma_start3A_247, %dma_start3A_248] : memref<200x128xf32, #tpu.memory_space<vmem>> -> memref<96x128xf32, #tpu.memory_space<vmem>>
      %dma_start3A_250 = arith.constant 0 : i32
      %dma_start3A_251 = tpu.memref_slice %arg6[%add3A_231, %dma_start3A_245, %dma_start3A_250] : memref<32x2x104xi32, #tpu.memory_space<vmem>> -> memref<1x1x96xi32, #tpu.memory_space<vmem>>
      %dma_start3A_252 = tpu.memref_squeeze %dma_start3A_251 : memref<1x1x96xi32, #tpu.memory_space<vmem>> -> memref<96xi32, #tpu.memory_space<vmem>>
      %dma_start3A_253 = arith.constant 0 : i32
      %dma_start3A_254 = arith.constant 0 : i32
      %dma_start3A_255 = tpu.memref_slice %arg3[%dma_start3A_253, %dma_start3A_254] : memref<100000x128xf32, #tpu.memory_space<hbm>> -> memref<100000x128xf32, #tpu.memory_space<hbm>>
      %dma_start3A_256 = tpu.memref_slice %arg13[%dma_start3A_246] : memref<4x!tpu.dma_semaphore, #tpu.memory_space<semaphore_mem>> -> memref<1x!tpu.dma_semaphore, #tpu.memory_space<semaphore_mem>>
      %dma_start3A_257 = tpu.memref_squeeze %dma_start3A_256 : memref<1x!tpu.dma_semaphore, #tpu.memory_space<semaphore_mem>> -> memref<!tpu.dma_semaphore, #tpu.memory_space<semaphore_mem>>
      tpu.enqueue_indirect_dma source(%dma_start3A_255 : memref<100000x128xf32, #tpu.memory_space<hbm>>) target(%dma_start3A_249 : memref<96x128xf32, #tpu.memory_space<vmem>>) offsets(%dma_start3A_252 : memref<96xi32, #tpu.memory_space<vmem>>) semaphore(%dma_start3A_257 : memref<!tpu.dma_semaphore, #tpu.memory_space<semaphore_mem>>) {add = true}
      %dma_wait3A_258 = arith.constant 0 : i32
      %dma_wait3A_259 = arith.constant 1 : i32
      %dma_wait3A_260 = arith.constant 0 : i32
      %dma_wait3A_261 = arith.constant 0 : i32
      %dma_wait3A_262 = tpu.memref_slice %arg9[%dma_wait3A_260, %dma_wait3A_261] : memref<200x128xf32, #tpu.memory_space<vmem>> -> memref<104x128xf32, #tpu.memory_space<vmem>>
      %dma_wait3A_263 = arith.constant 0 : i32
      %dma_wait3A_264 = tpu.memref_slice %arg6[%add3A_226, %dma_wait3A_258, %dma_wait3A_263] : memref<32x2x104xi32, #tpu.memory_space<vmem>> -> memref<1x1x104xi32, #tpu.memory_space<vmem>>
      %dma_wait3A_265 = tpu.memref_squeeze %dma_wait3A_264 : memref<1x1x104xi32, #tpu.memory_space<vmem>> -> memref<104xi32, #tpu.memory_space<vmem>>
      %dma_wait3A_266 = arith.constant 0 : i32
      %dma_wait3A_267 = arith.constant 0 : i32
      %dma_wait3A_268 = tpu.memref_slice %arg3[%dma_wait3A_266, %dma_wait3A_267] : memref<100000x128xf32, #tpu.memory_space<hbm>> -> memref<100000x128xf32, #tpu.memory_space<hbm>>
      %dma_wait3A_269 = tpu.memref_slice %arg13[%dma_wait3A_259] : memref<4x!tpu.dma_semaphore, #tpu.memory_space<semaphore_mem>> -> memref<1x!tpu.dma_semaphore, #tpu.memory_space<semaphore_mem>>
      %dma_wait3A_270 = tpu.memref_squeeze %dma_wait3A_269 : memref<1x!tpu.dma_semaphore, #tpu.memory_space<semaphore_mem>> -> memref<!tpu.dma_semaphore, #tpu.memory_space<semaphore_mem>>
      tpu.wait_indirect_dma semaphore(%dma_wait3A_270 : memref<!tpu.dma_semaphore, #tpu.memory_space<semaphore_mem>>) src(%dma_wait3A_268 : memref<100000x128xf32, #tpu.memory_space<hbm>>) dst(%dma_wait3A_262 : memref<104x128xf32, #tpu.memory_space<vmem>>)
      %add3A_271 = arith.addi %mul3A_2, %add3A_226 : i32
      %dma_start3A_272 = arith.constant 1 : i32
      %dma_start3A_273 = arith.constant 0 : i32
      %dma_start3A_274 = arith.constant 0 : i32
      %dma_start3A_275 = tpu.memref_slice %arg9[%dma_start3A_273, %dma_start3A_274] : memref<200x128xf32, #tpu.memory_space<vmem>> -> memref<104x128xf32, #tpu.memory_space<vmem>>
      %dma_start3A_276 = arith.constant 0 : i32
      %dma_start3A_277 = arith.constant 0 : i32
      %dma_start3A_278 = tpu.memref_slice %arg5[%add3A_271, %dma_start3A_276, %dma_start3A_277] : memref<1024x200x128xf32, #tpu.memory_space<hbm>> -> memref<1x104x128xf32, #tpu.memory_space<hbm>>
      %dma_start3A_279 = tpu.memref_squeeze %dma_start3A_278 : memref<1x104x128xf32, #tpu.memory_space<hbm>> -> memref<104x128xf32, #tpu.memory_space<hbm>>
      %dma_start3A_280 = tpu.memref_slice %arg14[%dma_start3A_272] : memref<4x!tpu.dma_semaphore, #tpu.memory_space<semaphore_mem>> -> memref<1x!tpu.dma_semaphore, #tpu.memory_space<semaphore_mem>>
      %dma_start3A_281 = tpu.memref_squeeze %dma_start3A_280 : memref<1x!tpu.dma_semaphore, #tpu.memory_space<semaphore_mem>> -> memref<!tpu.dma_semaphore, #tpu.memory_space<semaphore_mem>>
      %dma_start3A_282 = arith.constant 0 : i32
      %dma_start3A_283 = arith.constant 0 : i32
      %dma_start3A_284 = tpu.memref_slice %arg5[%add3A_271, %dma_start3A_282, %dma_start3A_283] : memref<1024x200x128xf32, #tpu.memory_space<hbm>> -> memref<1x104x128xf32, #tpu.memory_space<hbm>>
      %dma_start3A_285 = tpu.memref_squeeze %dma_start3A_284 : memref<1x104x128xf32, #tpu.memory_space<hbm>> -> memref<104x128xf32, #tpu.memory_space<hbm>>
      %dma_start3A_286 = arith.constant 0 : i32
      %dma_start3A_287 = arith.constant 0 : i32
      %dma_start3A_288 = tpu.memref_slice %arg9[%dma_start3A_286, %dma_start3A_287] : memref<200x128xf32, #tpu.memory_space<vmem>> -> memref<104x128xf32, #tpu.memory_space<vmem>>
      tpu.enqueue_dma source(%dma_start3A_288 : memref<104x128xf32, #tpu.memory_space<vmem>>) target(%dma_start3A_285 : memref<104x128xf32, #tpu.memory_space<hbm>>) target_semaphore(%dma_start3A_281 : memref<!tpu.dma_semaphore, #tpu.memory_space<semaphore_mem>>)
      %dma_wait3A_289 = arith.constant 1 : i32
      %dma_wait3A_290 = arith.constant 1 : i32
      %dma_wait3A_291 = arith.constant 104 : i32
      %dma_wait3A_292 = arith.constant 0 : i32
      %dma_wait3A_293 = tpu.memref_slice %arg9[%dma_wait3A_291, %dma_wait3A_292] : memref<200x128xf32, #tpu.memory_space<vmem>> -> memref<96x128xf32, #tpu.memory_space<vmem>>
      %dma_wait3A_294 = arith.constant 0 : i32
      %dma_wait3A_295 = tpu.memref_slice %arg6[%add3A_226, %dma_wait3A_289, %dma_wait3A_294] : memref<32x2x104xi32, #tpu.memory_space<vmem>> -> memref<1x1x96xi32, #tpu.memory_space<vmem>>
      %dma_wait3A_296 = tpu.memref_squeeze %dma_wait3A_295 : memref<1x1x96xi32, #tpu.memory_space<vmem>> -> memref<96xi32, #tpu.memory_space<vmem>>
      %dma_wait3A_297 = arith.constant 0 : i32
      %dma_wait3A_298 = arith.constant 0 : i32
      %dma_wait3A_299 = tpu.memref_slice %arg3[%dma_wait3A_297, %dma_wait3A_298] : memref<100000x128xf32, #tpu.memory_space<hbm>> -> memref<100000x128xf32, #tpu.memory_space<hbm>>
      %dma_wait3A_300 = tpu.memref_slice %arg13[%dma_wait3A_290] : memref<4x!tpu.dma_semaphore, #tpu.memory_space<semaphore_mem>> -> memref<1x!tpu.dma_semaphore, #tpu.memory_space<semaphore_mem>>
      %dma_wait3A_301 = tpu.memref_squeeze %dma_wait3A_300 : memref<1x!tpu.dma_semaphore, #tpu.memory_space<semaphore_mem>> -> memref<!tpu.dma_semaphore, #tpu.memory_space<semaphore_mem>>
      tpu.wait_indirect_dma semaphore(%dma_wait3A_301 : memref<!tpu.dma_semaphore, #tpu.memory_space<semaphore_mem>>) src(%dma_wait3A_299 : memref<100000x128xf32, #tpu.memory_space<hbm>>) dst(%dma_wait3A_293 : memref<96x128xf32, #tpu.memory_space<vmem>>)
      %add3A_302 = arith.addi %mul3A_2, %add3A_226 : i32
      %dma_start3A_303 = arith.constant 1 : i32
      %dma_start3A_304 = arith.constant 104 : i32
      %dma_start3A_305 = arith.constant 0 : i32
      %dma_start3A_306 = tpu.memref_slice %arg9[%dma_start3A_304, %dma_start3A_305] : memref<200x128xf32, #tpu.memory_space<vmem>> -> memref<96x128xf32, #tpu.memory_space<vmem>>
      %dma_start3A_307 = arith.constant 104 : i32
      %dma_start3A_308 = arith.constant 0 : i32
      %dma_start3A_309 = tpu.memref_slice %arg5[%add3A_302, %dma_start3A_307, %dma_start3A_308] : memref<1024x200x128xf32, #tpu.memory_space<hbm>> -> memref<1x96x128xf32, #tpu.memory_space<hbm>>
      %dma_start3A_310 = tpu.memref_squeeze %dma_start3A_309 : memref<1x96x128xf32, #tpu.memory_space<hbm>> -> memref<96x128xf32, #tpu.memory_space<hbm>>
      %dma_start3A_311 = tpu.memref_slice %arg14[%dma_start3A_303] : memref<4x!tpu.dma_semaphore, #tpu.memory_space<semaphore_mem>> -> memref<1x!tpu.dma_semaphore, #tpu.memory_space<semaphore_mem>>
      %dma_start3A_312 = tpu.memref_squeeze %dma_start3A_311 : memref<1x!tpu.dma_semaphore, #tpu.memory_space<semaphore_mem>> -> memref<!tpu.dma_semaphore, #tpu.memory_space<semaphore_mem>>
      %dma_start3A_313 = arith.constant 104 : i32
      %dma_start3A_314 = arith.constant 0 : i32
      %dma_start3A_315 = tpu.memref_slice %arg5[%add3A_302, %dma_start3A_313, %dma_start3A_314] : memref<1024x200x128xf32, #tpu.memory_space<hbm>> -> memref<1x96x128xf32, #tpu.memory_space<hbm>>
      %dma_start3A_316 = tpu.memref_squeeze %dma_start3A_315 : memref<1x96x128xf32, #tpu.memory_space<hbm>> -> memref<96x128xf32, #tpu.memory_space<hbm>>
      %dma_start3A_317 = arith.constant 104 : i32
      %dma_start3A_318 = arith.constant 0 : i32
      %dma_start3A_319 = tpu.memref_slice %arg9[%dma_start3A_317, %dma_start3A_318] : memref<200x128xf32, #tpu.memory_space<vmem>> -> memref<96x128xf32, #tpu.memory_space<vmem>>
      tpu.enqueue_dma source(%dma_start3A_319 : memref<96x128xf32, #tpu.memory_space<vmem>>) target(%dma_start3A_316 : memref<96x128xf32, #tpu.memory_space<hbm>>) target_semaphore(%dma_start3A_312 : memref<!tpu.dma_semaphore, #tpu.memory_space<semaphore_mem>>)
      %gt3A_320 = arith.constant 0 : i32
      %gt3A_321 = arith.cmpi sgt, %scan3A_116, %gt3A_320 : i32
      %convert_element_type3A_322 = arith.extui %gt3A_321 : i1 to i32
      %cond3A_323 = arith.constant 0 : i32
      %cond3A_324 = arith.cmpi ne, %convert_element_type3A_322, %cond3A_323 : i32
      scf.if %cond3A_324 {
        %dma_wait3A_577 = arith.constant 3 : i32
        %dma_wait3A_578 = arith.constant 0 : i32
        %dma_wait3A_579 = arith.constant 0 : i32
        %dma_wait3A_580 = tpu.memref_slice %arg11[%dma_wait3A_578, %dma_wait3A_579] : memref<200x128xf32, #tpu.memory_space<vmem>> -> memref<104x128xf32, #tpu.memory_space<vmem>>
        %dma_wait3A_581 = arith.constant 0 : i32
        %dma_wait3A_582 = arith.constant 0 : i32
        %dma_wait3A_583 = tpu.memref_slice %arg5[%mul3A_2, %dma_wait3A_581, %dma_wait3A_582] : memref<1024x200x128xf32, #tpu.memory_space<hbm>> -> memref<1x104x128xf32, #tpu.memory_space<hbm>>
        %dma_wait3A_584 = tpu.memref_squeeze %dma_wait3A_583 : memref<1x104x128xf32, #tpu.memory_space<hbm>> -> memref<104x128xf32, #tpu.memory_space<hbm>>
        %dma_wait3A_585 = tpu.memref_slice %arg14[%dma_wait3A_577] : memref<4x!tpu.dma_semaphore, #tpu.memory_space<semaphore_mem>> -> memref<1x!tpu.dma_semaphore, #tpu.memory_space<semaphore_mem>>
        %dma_wait3A_586 = tpu.memref_squeeze %dma_wait3A_585 : memref<1x!tpu.dma_semaphore, #tpu.memory_space<semaphore_mem>> -> memref<!tpu.dma_semaphore, #tpu.memory_space<semaphore_mem>>
        %dma_wait3A_587 = arith.constant 0 : i32
        %dma_wait3A_588 = arith.constant 0 : i32
        %dma_wait3A_589 = tpu.memref_slice %arg5[%mul3A_2, %dma_wait3A_587, %dma_wait3A_588] : memref<1024x200x128xf32, #tpu.memory_space<hbm>> -> memref<1x104x128xf32, #tpu.memory_space<hbm>>
        %dma_wait3A_590 = tpu.memref_squeeze %dma_wait3A_589 : memref<1x104x128xf32, #tpu.memory_space<hbm>> -> memref<104x128xf32, #tpu.memory_space<hbm>>
        %dma_wait3A_591 = arith.constant 0 : i32
        %dma_wait3A_592 = arith.constant 0 : i32
        %dma_wait3A_593 = tpu.memref_slice %arg11[%dma_wait3A_591, %dma_wait3A_592] : memref<200x128xf32, #tpu.memory_space<vmem>> -> memref<104x128xf32, #tpu.memory_space<vmem>>
        tpu.wait_dma2 semaphore(%dma_wait3A_586 : memref<!tpu.dma_semaphore, #tpu.memory_space<semaphore_mem>>) src(%dma_wait3A_593 : memref<104x128xf32, #tpu.memory_space<vmem>>) dst(%dma_wait3A_590 : memref<104x128xf32, #tpu.memory_space<hbm>>)
        %dma_wait3A_594 = arith.constant 3 : i32
        %dma_wait3A_595 = arith.constant 104 : i32
        %dma_wait3A_596 = arith.constant 0 : i32
        %dma_wait3A_597 = tpu.memref_slice %arg11[%dma_wait3A_595, %dma_wait3A_596] : memref<200x128xf32, #tpu.memory_space<vmem>> -> memref<96x128xf32, #tpu.memory_space<vmem>>
        %dma_wait3A_598 = arith.constant 104 : i32
        %dma_wait3A_599 = arith.constant 0 : i32
        %dma_wait3A_600 = tpu.memref_slice %arg5[%mul3A_2, %dma_wait3A_598, %dma_wait3A_599] : memref<1024x200x128xf32, #tpu.memory_space<hbm>> -> memref<1x96x128xf32, #tpu.memory_space<hbm>>
        %dma_wait3A_601 = tpu.memref_squeeze %dma_wait3A_600 : memref<1x96x128xf32, #tpu.memory_space<hbm>> -> memref<96x128xf32, #tpu.memory_space<hbm>>
        %dma_wait3A_602 = tpu.memref_slice %arg14[%dma_wait3A_594] : memref<4x!tpu.dma_semaphore, #tpu.memory_space<semaphore_mem>> -> memref<1x!tpu.dma_semaphore, #tpu.memory_space<semaphore_mem>>
        %dma_wait3A_603 = tpu.memref_squeeze %dma_wait3A_602 : memref<1x!tpu.dma_semaphore, #tpu.memory_space<semaphore_mem>> -> memref<!tpu.dma_semaphore, #tpu.memory_space<semaphore_mem>>
        %dma_wait3A_604 = arith.constant 104 : i32
        %dma_wait3A_605 = arith.constant 0 : i32
        %dma_wait3A_606 = tpu.memref_slice %arg5[%mul3A_2, %dma_wait3A_604, %dma_wait3A_605] : memref<1024x200x128xf32, #tpu.memory_space<hbm>> -> memref<1x96x128xf32, #tpu.memory_space<hbm>>
        %dma_wait3A_607 = tpu.memref_squeeze %dma_wait3A_606 : memref<1x96x128xf32, #tpu.memory_space<hbm>> -> memref<96x128xf32, #tpu.memory_space<hbm>>
        %dma_wait3A_608 = arith.constant 104 : i32
        %dma_wait3A_609 = arith.constant 0 : i32
        %dma_wait3A_610 = tpu.memref_slice %arg11[%dma_wait3A_608, %dma_wait3A_609] : memref<200x128xf32, #tpu.memory_space<vmem>> -> memref<96x128xf32, #tpu.memory_space<vmem>>
        tpu.wait_dma2 semaphore(%dma_wait3A_603 : memref<!tpu.dma_semaphore, #tpu.memory_space<semaphore_mem>>) src(%dma_wait3A_610 : memref<96x128xf32, #tpu.memory_space<vmem>>) dst(%dma_wait3A_607 : memref<96x128xf32, #tpu.memory_space<hbm>>)
      } else {
      }
      %dma_start3A_325 = arith.constant 3 : i32
      %dma_start3A_326 = tpu.memref_slice %arg12[%dma_start3A_325] : memref<4x!tpu.dma_semaphore, #tpu.memory_space<semaphore_mem>> -> memref<1x!tpu.dma_semaphore, #tpu.memory_space<semaphore_mem>>
      %dma_start3A_327 = tpu.memref_squeeze %dma_start3A_326 : memref<1x!tpu.dma_semaphore, #tpu.memory_space<semaphore_mem>> -> memref<!tpu.dma_semaphore, #tpu.memory_space<semaphore_mem>>
      tpu.enqueue_dma source(%arg7 : memref<200x128xf32, #tpu.memory_space<vmem_shared>>) target(%arg11 : memref<200x128xf32, #tpu.memory_space<vmem>>) target_semaphore(%dma_start3A_327 : memref<!tpu.dma_semaphore, #tpu.memory_space<semaphore_mem>>)
      %mul3A_328 = arith.constant 4 : i32
      %mul3A_329 = arith.muli %mul3A_328, %scan3A_116 : i32
      %add3A_330 = arith.constant 2 : i32
      %add3A_331 = arith.addi %mul3A_329, %add3A_330 : i32
      %dma_wait3A_332 = arith.constant 3 : i32
      %dma_wait3A_333 = tpu.memref_slice %arg12[%dma_wait3A_332] : memref<4x!tpu.dma_semaphore, #tpu.memory_space<semaphore_mem>> -> memref<1x!tpu.dma_semaphore, #tpu.memory_space<semaphore_mem>>
      %dma_wait3A_334 = tpu.memref_squeeze %dma_wait3A_333 : memref<1x!tpu.dma_semaphore, #tpu.memory_space<semaphore_mem>> -> memref<!tpu.dma_semaphore, #tpu.memory_space<semaphore_mem>>
      tpu.wait_dma2 semaphore(%dma_wait3A_334 : memref<!tpu.dma_semaphore, #tpu.memory_space<semaphore_mem>>) src(%arg7 : memref<200x128xf32, #tpu.memory_space<vmem_shared>>) dst(%arg11 : memref<200x128xf32, #tpu.memory_space<vmem>>)
      %add3A_335 = arith.constant 1 : i32
      %add3A_336 = arith.addi %add3A_331, %add3A_335 : i32
      %dma_start3A_337 = arith.constant 0 : i32
      %dma_start3A_338 = arith.constant 3 : i32
      %dma_start3A_339 = arith.constant 0 : i32
      %dma_start3A_340 = arith.constant 0 : i32
      %dma_start3A_341 = tpu.memref_slice %arg11[%dma_start3A_339, %dma_start3A_340] : memref<200x128xf32, #tpu.memory_space<vmem>> -> memref<104x128xf32, #tpu.memory_space<vmem>>
      %dma_start3A_342 = arith.constant 0 : i32
      %dma_start3A_343 = tpu.memref_slice %arg6[%add3A_336, %dma_start3A_337, %dma_start3A_342] : memref<32x2x104xi32, #tpu.memory_space<vmem>> -> memref<1x1x104xi32, #tpu.memory_space<vmem>>
      %dma_start3A_344 = tpu.memref_squeeze %dma_start3A_343 : memref<1x1x104xi32, #tpu.memory_space<vmem>> -> memref<104xi32, #tpu.memory_space<vmem>>
      %dma_start3A_345 = arith.constant 0 : i32
      %dma_start3A_346 = arith.constant 0 : i32
      %dma_start3A_347 = tpu.memref_slice %arg3[%dma_start3A_345, %dma_start3A_346] : memref<100000x128xf32, #tpu.memory_space<hbm>> -> memref<100000x128xf32, #tpu.memory_space<hbm>>
      %dma_start3A_348 = tpu.memref_slice %arg13[%dma_start3A_338] : memref<4x!tpu.dma_semaphore, #tpu.memory_space<semaphore_mem>> -> memref<1x!tpu.dma_semaphore, #tpu.memory_space<semaphore_mem>>
      %dma_start3A_349 = tpu.memref_squeeze %dma_start3A_348 : memref<1x!tpu.dma_semaphore, #tpu.memory_space<semaphore_mem>> -> memref<!tpu.dma_semaphore, #tpu.memory_space<semaphore_mem>>
      tpu.enqueue_indirect_dma source(%dma_start3A_347 : memref<100000x128xf32, #tpu.memory_space<hbm>>) target(%dma_start3A_341 : memref<104x128xf32, #tpu.memory_space<vmem>>) offsets(%dma_start3A_344 : memref<104xi32, #tpu.memory_space<vmem>>) semaphore(%dma_start3A_349 : memref<!tpu.dma_semaphore, #tpu.memory_space<semaphore_mem>>) {add = true}
      %dma_start3A_350 = arith.constant 1 : i32
      %dma_start3A_351 = arith.constant 3 : i32
      %dma_start3A_352 = arith.constant 104 : i32
      %dma_start3A_353 = arith.constant 0 : i32
      %dma_start3A_354 = tpu.memref_slice %arg11[%dma_start3A_352, %dma_start3A_353] : memref<200x128xf32, #tpu.memory_space<vmem>> -> memref<96x128xf32, #tpu.memory_space<vmem>>
      %dma_start3A_355 = arith.constant 0 : i32
      %dma_start3A_356 = tpu.memref_slice %arg6[%add3A_336, %dma_start3A_350, %dma_start3A_355] : memref<32x2x104xi32, #tpu.memory_space<vmem>> -> memref<1x1x96xi32, #tpu.memory_space<vmem>>
      %dma_start3A_357 = tpu.memref_squeeze %dma_start3A_356 : memref<1x1x96xi32, #tpu.memory_space<vmem>> -> memref<96xi32, #tpu.memory_space<vmem>>
      %dma_start3A_358 = arith.constant 0 : i32
      %dma_start3A_359 = arith.constant 0 : i32
      %dma_start3A_360 = tpu.memref_slice %arg3[%dma_start3A_358, %dma_start3A_359] : memref<100000x128xf32, #tpu.memory_space<hbm>> -> memref<100000x128xf32, #tpu.memory_space<hbm>>
      %dma_start3A_361 = tpu.memref_slice %arg13[%dma_start3A_351] : memref<4x!tpu.dma_semaphore, #tpu.memory_space<semaphore_mem>> -> memref<1x!tpu.dma_semaphore, #tpu.memory_space<semaphore_mem>>
      %dma_start3A_362 = tpu.memref_squeeze %dma_start3A_361 : memref<1x!tpu.dma_semaphore, #tpu.memory_space<semaphore_mem>> -> memref<!tpu.dma_semaphore, #tpu.memory_space<semaphore_mem>>
      tpu.enqueue_indirect_dma source(%dma_start3A_360 : memref<100000x128xf32, #tpu.memory_space<hbm>>) target(%dma_start3A_354 : memref<96x128xf32, #tpu.memory_space<vmem>>) offsets(%dma_start3A_357 : memref<96xi32, #tpu.memory_space<vmem>>) semaphore(%dma_start3A_362 : memref<!tpu.dma_semaphore, #tpu.memory_space<semaphore_mem>>) {add = true}
      %dma_wait3A_363 = arith.constant 0 : i32
      %dma_wait3A_364 = arith.constant 2 : i32
      %dma_wait3A_365 = arith.constant 0 : i32
      %dma_wait3A_366 = arith.constant 0 : i32
      %dma_wait3A_367 = tpu.memref_slice %arg10[%dma_wait3A_365, %dma_wait3A_366] : memref<200x128xf32, #tpu.memory_space<vmem>> -> memref<104x128xf32, #tpu.memory_space<vmem>>
      %dma_wait3A_368 = arith.constant 0 : i32
      %dma_wait3A_369 = tpu.memref_slice %arg6[%add3A_331, %dma_wait3A_363, %dma_wait3A_368] : memref<32x2x104xi32, #tpu.memory_space<vmem>> -> memref<1x1x104xi32, #tpu.memory_space<vmem>>
      %dma_wait3A_370 = tpu.memref_squeeze %dma_wait3A_369 : memref<1x1x104xi32, #tpu.memory_space<vmem>> -> memref<104xi32, #tpu.memory_space<vmem>>
      %dma_wait3A_371 = arith.constant 0 : i32
      %dma_wait3A_372 = arith.constant 0 : i32
      %dma_wait3A_373 = tpu.memref_slice %arg3[%dma_wait3A_371, %dma_wait3A_372] : memref<100000x128xf32, #tpu.memory_space<hbm>> -> memref<100000x128xf32, #tpu.memory_space<hbm>>
      %dma_wait3A_374 = tpu.memref_slice %arg13[%dma_wait3A_364] : memref<4x!tpu.dma_semaphore, #tpu.memory_space<semaphore_mem>> -> memref<1x!tpu.dma_semaphore, #tpu.memory_space<semaphore_mem>>
      %dma_wait3A_375 = tpu.memref_squeeze %dma_wait3A_374 : memref<1x!tpu.dma_semaphore, #tpu.memory_space<semaphore_mem>> -> memref<!tpu.dma_semaphore, #tpu.memory_space<semaphore_mem>>
      tpu.wait_indirect_dma semaphore(%dma_wait3A_375 : memref<!tpu.dma_semaphore, #tpu.memory_space<semaphore_mem>>) src(%dma_wait3A_373 : memref<100000x128xf32, #tpu.memory_space<hbm>>) dst(%dma_wait3A_367 : memref<104x128xf32, #tpu.memory_space<vmem>>)
      %add3A_376 = arith.addi %mul3A_2, %add3A_331 : i32
      %dma_start3A_377 = arith.constant 2 : i32
      %dma_start3A_378 = arith.constant 0 : i32
      %dma_start3A_379 = arith.constant 0 : i32
      %dma_start3A_380 = tpu.memref_slice %arg10[%dma_start3A_378, %dma_start3A_379] : memref<200x128xf32, #tpu.memory_space<vmem>> -> memref<104x128xf32, #tpu.memory_space<vmem>>
      %dma_start3A_381 = arith.constant 0 : i32
      %dma_start3A_382 = arith.constant 0 : i32
      %dma_start3A_383 = tpu.memref_slice %arg5[%add3A_376, %dma_start3A_381, %dma_start3A_382] : memref<1024x200x128xf32, #tpu.memory_space<hbm>> -> memref<1x104x128xf32, #tpu.memory_space<hbm>>
      %dma_start3A_384 = tpu.memref_squeeze %dma_start3A_383 : memref<1x104x128xf32, #tpu.memory_space<hbm>> -> memref<104x128xf32, #tpu.memory_space<hbm>>
      %dma_start3A_385 = tpu.memref_slice %arg14[%dma_start3A_377] : memref<4x!tpu.dma_semaphore, #tpu.memory_space<semaphore_mem>> -> memref<1x!tpu.dma_semaphore, #tpu.memory_space<semaphore_mem>>
      %dma_start3A_386 = tpu.memref_squeeze %dma_start3A_385 : memref<1x!tpu.dma_semaphore, #tpu.memory_space<semaphore_mem>> -> memref<!tpu.dma_semaphore, #tpu.memory_space<semaphore_mem>>
      %dma_start3A_387 = arith.constant 0 : i32
      %dma_start3A_388 = arith.constant 0 : i32
      %dma_start3A_389 = tpu.memref_slice %arg5[%add3A_376, %dma_start3A_387, %dma_start3A_388] : memref<1024x200x128xf32, #tpu.memory_space<hbm>> -> memref<1x104x128xf32, #tpu.memory_space<hbm>>
      %dma_start3A_390 = tpu.memref_squeeze %dma_start3A_389 : memref<1x104x128xf32, #tpu.memory_space<hbm>> -> memref<104x128xf32, #tpu.memory_space<hbm>>
      %dma_start3A_391 = arith.constant 0 : i32
      %dma_start3A_392 = arith.constant 0 : i32
      %dma_start3A_393 = tpu.memref_slice %arg10[%dma_start3A_391, %dma_start3A_392] : memref<200x128xf32, #tpu.memory_space<vmem>> -> memref<104x128xf32, #tpu.memory_space<vmem>>
      tpu.enqueue_dma source(%dma_start3A_393 : memref<104x128xf32, #tpu.memory_space<vmem>>) target(%dma_start3A_390 : memref<104x128xf32, #tpu.memory_space<hbm>>) target_semaphore(%dma_start3A_386 : memref<!tpu.dma_semaphore, #tpu.memory_space<semaphore_mem>>)
      %dma_wait3A_394 = arith.constant 1 : i32
      %dma_wait3A_395 = arith.constant 2 : i32
      %dma_wait3A_396 = arith.constant 104 : i32
      %dma_wait3A_397 = arith.constant 0 : i32
      %dma_wait3A_398 = tpu.memref_slice %arg10[%dma_wait3A_396, %dma_wait3A_397] : memref<200x128xf32, #tpu.memory_space<vmem>> -> memref<96x128xf32, #tpu.memory_space<vmem>>
      %dma_wait3A_399 = arith.constant 0 : i32
      %dma_wait3A_400 = tpu.memref_slice %arg6[%add3A_331, %dma_wait3A_394, %dma_wait3A_399] : memref<32x2x104xi32, #tpu.memory_space<vmem>> -> memref<1x1x96xi32, #tpu.memory_space<vmem>>
      %dma_wait3A_401 = tpu.memref_squeeze %dma_wait3A_400 : memref<1x1x96xi32, #tpu.memory_space<vmem>> -> memref<96xi32, #tpu.memory_space<vmem>>
      %dma_wait3A_402 = arith.constant 0 : i32
      %dma_wait3A_403 = arith.constant 0 : i32
      %dma_wait3A_404 = tpu.memref_slice %arg3[%dma_wait3A_402, %dma_wait3A_403] : memref<100000x128xf32, #tpu.memory_space<hbm>> -> memref<100000x128xf32, #tpu.memory_space<hbm>>
      %dma_wait3A_405 = tpu.memref_slice %arg13[%dma_wait3A_395] : memref<4x!tpu.dma_semaphore, #tpu.memory_space<semaphore_mem>> -> memref<1x!tpu.dma_semaphore, #tpu.memory_space<semaphore_mem>>
      %dma_wait3A_406 = tpu.memref_squeeze %dma_wait3A_405 : memref<1x!tpu.dma_semaphore, #tpu.memory_space<semaphore_mem>> -> memref<!tpu.dma_semaphore, #tpu.memory_space<semaphore_mem>>
      tpu.wait_indirect_dma semaphore(%dma_wait3A_406 : memref<!tpu.dma_semaphore, #tpu.memory_space<semaphore_mem>>) src(%dma_wait3A_404 : memref<100000x128xf32, #tpu.memory_space<hbm>>) dst(%dma_wait3A_398 : memref<96x128xf32, #tpu.memory_space<vmem>>)
      %add3A_407 = arith.addi %mul3A_2, %add3A_331 : i32
      %dma_start3A_408 = arith.constant 2 : i32
      %dma_start3A_409 = arith.constant 104 : i32
      %dma_start3A_410 = arith.constant 0 : i32
      %dma_start3A_411 = tpu.memref_slice %arg10[%dma_start3A_409, %dma_start3A_410] : memref<200x128xf32, #tpu.memory_space<vmem>> -> memref<96x128xf32, #tpu.memory_space<vmem>>
      %dma_start3A_412 = arith.constant 104 : i32
      %dma_start3A_413 = arith.constant 0 : i32
      %dma_start3A_414 = tpu.memref_slice %arg5[%add3A_407, %dma_start3A_412, %dma_start3A_413] : memref<1024x200x128xf32, #tpu.memory_space<hbm>> -> memref<1x96x128xf32, #tpu.memory_space<hbm>>
      %dma_start3A_415 = tpu.memref_squeeze %dma_start3A_414 : memref<1x96x128xf32, #tpu.memory_space<hbm>> -> memref<96x128xf32, #tpu.memory_space<hbm>>
      %dma_start3A_416 = tpu.memref_slice %arg14[%dma_start3A_408] : memref<4x!tpu.dma_semaphore, #tpu.memory_space<semaphore_mem>> -> memref<1x!tpu.dma_semaphore, #tpu.memory_space<semaphore_mem>>
      %dma_start3A_417 = tpu.memref_squeeze %dma_start3A_416 : memref<1x!tpu.dma_semaphore, #tpu.memory_space<semaphore_mem>> -> memref<!tpu.dma_semaphore, #tpu.memory_space<semaphore_mem>>
      %dma_start3A_418 = arith.constant 104 : i32
      %dma_start3A_419 = arith.constant 0 : i32
      %dma_start3A_420 = tpu.memref_slice %arg5[%add3A_407, %dma_start3A_418, %dma_start3A_419] : memref<1024x200x128xf32, #tpu.memory_space<hbm>> -> memref<1x96x128xf32, #tpu.memory_space<hbm>>
      %dma_start3A_421 = tpu.memref_squeeze %dma_start3A_420 : memref<1x96x128xf32, #tpu.memory_space<hbm>> -> memref<96x128xf32, #tpu.memory_space<hbm>>
      %dma_start3A_422 = arith.constant 104 : i32
      %dma_start3A_423 = arith.constant 0 : i32
      %dma_start3A_424 = tpu.memref_slice %arg10[%dma_start3A_422, %dma_start3A_423] : memref<200x128xf32, #tpu.memory_space<vmem>> -> memref<96x128xf32, #tpu.memory_space<vmem>>
      tpu.enqueue_dma source(%dma_start3A_424 : memref<96x128xf32, #tpu.memory_space<vmem>>) target(%dma_start3A_421 : memref<96x128xf32, #tpu.memory_space<hbm>>) target_semaphore(%dma_start3A_417 : memref<!tpu.dma_semaphore, #tpu.memory_space<semaphore_mem>>)
      %dma_wait3A_425 = arith.constant 0 : i32
      %dma_wait3A_426 = arith.constant 0 : i32
      %dma_wait3A_427 = arith.constant 0 : i32
      %dma_wait3A_428 = tpu.memref_slice %arg8[%dma_wait3A_426, %dma_wait3A_427] : memref<200x128xf32, #tpu.memory_space<vmem>> -> memref<104x128xf32, #tpu.memory_space<vmem>>
      %dma_wait3A_429 = arith.constant 0 : i32
      %dma_wait3A_430 = arith.constant 0 : i32
      %dma_wait3A_431 = tpu.memref_slice %arg5[%mul3A_2, %dma_wait3A_429, %dma_wait3A_430] : memref<1024x200x128xf32, #tpu.memory_space<hbm>> -> memref<1x104x128xf32, #tpu.memory_space<hbm>>
      %dma_wait3A_432 = tpu.memref_squeeze %dma_wait3A_431 : memref<1x104x128xf32, #tpu.memory_space<hbm>> -> memref<104x128xf32, #tpu.memory_space<hbm>>
      %dma_wait3A_433 = tpu.memref_slice %arg14[%dma_wait3A_425] : memref<4x!tpu.dma_semaphore, #tpu.memory_space<semaphore_mem>> -> memref<1x!tpu.dma_semaphore, #tpu.memory_space<semaphore_mem>>
      %dma_wait3A_434 = tpu.memref_squeeze %dma_wait3A_433 : memref<1x!tpu.dma_semaphore, #tpu.memory_space<semaphore_mem>> -> memref<!tpu.dma_semaphore, #tpu.memory_space<semaphore_mem>>
      %dma_wait3A_435 = arith.constant 0 : i32
      %dma_wait3A_436 = arith.constant 0 : i32
      %dma_wait3A_437 = tpu.memref_slice %arg5[%mul3A_2, %dma_wait3A_435, %dma_wait3A_436] : memref<1024x200x128xf32, #tpu.memory_space<hbm>> -> memref<1x104x128xf32, #tpu.memory_space<hbm>>
      %dma_wait3A_438 = tpu.memref_squeeze %dma_wait3A_437 : memref<1x104x128xf32, #tpu.memory_space<hbm>> -> memref<104x128xf32, #tpu.memory_space<hbm>>
      %dma_wait3A_439 = arith.constant 0 : i32
      %dma_wait3A_440 = arith.constant 0 : i32
      %dma_wait3A_441 = tpu.memref_slice %arg8[%dma_wait3A_439, %dma_wait3A_440] : memref<200x128xf32, #tpu.memory_space<vmem>> -> memref<104x128xf32, #tpu.memory_space<vmem>>
      tpu.wait_dma2 semaphore(%dma_wait3A_434 : memref<!tpu.dma_semaphore, #tpu.memory_space<semaphore_mem>>) src(%dma_wait3A_441 : memref<104x128xf32, #tpu.memory_space<vmem>>) dst(%dma_wait3A_438 : memref<104x128xf32, #tpu.memory_space<hbm>>)
      %dma_wait3A_442 = arith.constant 0 : i32
      %dma_wait3A_443 = arith.constant 104 : i32
      %dma_wait3A_444 = arith.constant 0 : i32
      %dma_wait3A_445 = tpu.memref_slice %arg8[%dma_wait3A_443, %dma_wait3A_444] : memref<200x128xf32, #tpu.memory_space<vmem>> -> memref<96x128xf32, #tpu.memory_space<vmem>>
      %dma_wait3A_446 = arith.constant 104 : i32
      %dma_wait3A_447 = arith.constant 0 : i32
      %dma_wait3A_448 = tpu.memref_slice %arg5[%mul3A_2, %dma_wait3A_446, %dma_wait3A_447] : memref<1024x200x128xf32, #tpu.memory_space<hbm>> -> memref<1x96x128xf32, #tpu.memory_space<hbm>>
      %dma_wait3A_449 = tpu.memref_squeeze %dma_wait3A_448 : memref<1x96x128xf32, #tpu.memory_space<hbm>> -> memref<96x128xf32, #tpu.memory_space<hbm>>
      %dma_wait3A_450 = tpu.memref_slice %arg14[%dma_wait3A_442] : memref<4x!tpu.dma_semaphore, #tpu.memory_space<semaphore_mem>> -> memref<1x!tpu.dma_semaphore, #tpu.memory_space<semaphore_mem>>
      %dma_wait3A_451 = tpu.memref_squeeze %dma_wait3A_450 : memref<1x!tpu.dma_semaphore, #tpu.memory_space<semaphore_mem>> -> memref<!tpu.dma_semaphore, #tpu.memory_space<semaphore_mem>>
      %dma_wait3A_452 = arith.constant 104 : i32
      %dma_wait3A_453 = arith.constant 0 : i32
      %dma_wait3A_454 = tpu.memref_slice %arg5[%mul3A_2, %dma_wait3A_452, %dma_wait3A_453] : memref<1024x200x128xf32, #tpu.memory_space<hbm>> -> memref<1x96x128xf32, #tpu.memory_space<hbm>>
      %dma_wait3A_455 = tpu.memref_squeeze %dma_wait3A_454 : memref<1x96x128xf32, #tpu.memory_space<hbm>> -> memref<96x128xf32, #tpu.memory_space<hbm>>
      %dma_wait3A_456 = arith.constant 104 : i32
      %dma_wait3A_457 = arith.constant 0 : i32
      %dma_wait3A_458 = tpu.memref_slice %arg8[%dma_wait3A_456, %dma_wait3A_457] : memref<200x128xf32, #tpu.memory_space<vmem>> -> memref<96x128xf32, #tpu.memory_space<vmem>>
      tpu.wait_dma2 semaphore(%dma_wait3A_451 : memref<!tpu.dma_semaphore, #tpu.memory_space<semaphore_mem>>) src(%dma_wait3A_458 : memref<96x128xf32, #tpu.memory_space<vmem>>) dst(%dma_wait3A_455 : memref<96x128xf32, #tpu.memory_space<hbm>>)
      %add3A_459 = arith.constant 2 : i32
      %add3A_460 = arith.addi %add3A_331, %add3A_459 : i32
      %lt3A = arith.constant 32 : i32
      %lt3A_461 = arith.cmpi slt, %add3A_460, %lt3A : i32
      %convert_element_type3A_462 = arith.extui %lt3A_461 : i1 to i32
      %cond3A_463 = arith.constant 0 : i32
      %cond3A_464 = arith.cmpi ne, %convert_element_type3A_462, %cond3A_463 : i32
      scf.if %cond3A_464 {
        %dma_start3A_577 = arith.constant 0 : i32
        %dma_start3A_578 = tpu.memref_slice %arg12[%dma_start3A_577] : memref<4x!tpu.dma_semaphore, #tpu.memory_space<semaphore_mem>> -> memref<1x!tpu.dma_semaphore, #tpu.memory_space<semaphore_mem>>
        %dma_start3A_579 = tpu.memref_squeeze %dma_start3A_578 : memref<1x!tpu.dma_semaphore, #tpu.memory_space<semaphore_mem>> -> memref<!tpu.dma_semaphore, #tpu.memory_space<semaphore_mem>>
        tpu.enqueue_dma source(%arg7 : memref<200x128xf32, #tpu.memory_space<vmem_shared>>) target(%arg8 : memref<200x128xf32, #tpu.memory_space<vmem>>) target_semaphore(%dma_start3A_579 : memref<!tpu.dma_semaphore, #tpu.memory_space<semaphore_mem>>)
      } else {
      }
      %mul3A_465 = arith.constant 4 : i32
      %mul3A_466 = arith.muli %mul3A_465, %scan3A_116 : i32
      %add3A_467 = arith.constant 3 : i32
      %add3A_468 = arith.addi %mul3A_466, %add3A_467 : i32
      %lt3A_469 = arith.constant 7 : i32
      %lt3A_470 = arith.cmpi slt, %scan3A_116, %lt3A_469 : i32
      %convert_element_type3A_471 = arith.extui %lt3A_470 : i1 to i32
      %cond3A_472 = arith.constant 0 : i32
      %cond3A_473 = arith.cmpi ne, %convert_element_type3A_471, %cond3A_472 : i32
      scf.if %cond3A_473 {
        %dma_wait3A_577 = arith.constant 0 : i32
        %dma_wait3A_578 = tpu.memref_slice %arg12[%dma_wait3A_577] : memref<4x!tpu.dma_semaphore, #tpu.memory_space<semaphore_mem>> -> memref<1x!tpu.dma_semaphore, #tpu.memory_space<semaphore_mem>>
        %dma_wait3A_579 = tpu.memref_squeeze %dma_wait3A_578 : memref<1x!tpu.dma_semaphore, #tpu.memory_space<semaphore_mem>> -> memref<!tpu.dma_semaphore, #tpu.memory_space<semaphore_mem>>
        tpu.wait_dma2 semaphore(%dma_wait3A_579 : memref<!tpu.dma_semaphore, #tpu.memory_space<semaphore_mem>>) src(%arg7 : memref<200x128xf32, #tpu.memory_space<vmem_shared>>) dst(%arg8 : memref<200x128xf32, #tpu.memory_space<vmem>>)
        %add3A_580 = arith.constant 1 : i32
        %add3A_581 = arith.addi %add3A_468, %add3A_580 : i32
        %dma_start3A_582 = arith.constant 0 : i32
        %dma_start3A_583 = arith.constant 0 : i32
        %dma_start3A_584 = arith.constant 0 : i32
        %dma_start3A_585 = arith.constant 0 : i32
        %dma_start3A_586 = tpu.memref_slice %arg8[%dma_start3A_584, %dma_start3A_585] : memref<200x128xf32, #tpu.memory_space<vmem>> -> memref<104x128xf32, #tpu.memory_space<vmem>>
        %dma_start3A_587 = arith.constant 0 : i32
        %dma_start3A_588 = tpu.memref_slice %arg6[%add3A_581, %dma_start3A_582, %dma_start3A_587] : memref<32x2x104xi32, #tpu.memory_space<vmem>> -> memref<1x1x104xi32, #tpu.memory_space<vmem>>
        %dma_start3A_589 = tpu.memref_squeeze %dma_start3A_588 : memref<1x1x104xi32, #tpu.memory_space<vmem>> -> memref<104xi32, #tpu.memory_space<vmem>>
        %dma_start3A_590 = arith.constant 0 : i32
        %dma_start3A_591 = arith.constant 0 : i32
        %dma_start3A_592 = tpu.memref_slice %arg3[%dma_start3A_590, %dma_start3A_591] : memref<100000x128xf32, #tpu.memory_space<hbm>> -> memref<100000x128xf32, #tpu.memory_space<hbm>>
        %dma_start3A_593 = tpu.memref_slice %arg13[%dma_start3A_583] : memref<4x!tpu.dma_semaphore, #tpu.memory_space<semaphore_mem>> -> memref<1x!tpu.dma_semaphore, #tpu.memory_space<semaphore_mem>>
        %dma_start3A_594 = tpu.memref_squeeze %dma_start3A_593 : memref<1x!tpu.dma_semaphore, #tpu.memory_space<semaphore_mem>> -> memref<!tpu.dma_semaphore, #tpu.memory_space<semaphore_mem>>
        tpu.enqueue_indirect_dma source(%dma_start3A_592 : memref<100000x128xf32, #tpu.memory_space<hbm>>) target(%dma_start3A_586 : memref<104x128xf32, #tpu.memory_space<vmem>>) offsets(%dma_start3A_589 : memref<104xi32, #tpu.memory_space<vmem>>) semaphore(%dma_start3A_594 : memref<!tpu.dma_semaphore, #tpu.memory_space<semaphore_mem>>) {add = true}
        %dma_start3A_595 = arith.constant 1 : i32
        %dma_start3A_596 = arith.constant 0 : i32
        %dma_start3A_597 = arith.constant 104 : i32
        %dma_start3A_598 = arith.constant 0 : i32
        %dma_start3A_599 = tpu.memref_slice %arg8[%dma_start3A_597, %dma_start3A_598] : memref<200x128xf32, #tpu.memory_space<vmem>> -> memref<96x128xf32, #tpu.memory_space<vmem>>
        %dma_start3A_600 = arith.constant 0 : i32
        %dma_start3A_601 = tpu.memref_slice %arg6[%add3A_581, %dma_start3A_595, %dma_start3A_600] : memref<32x2x104xi32, #tpu.memory_space<vmem>> -> memref<1x1x96xi32, #tpu.memory_space<vmem>>
        %dma_start3A_602 = tpu.memref_squeeze %dma_start3A_601 : memref<1x1x96xi32, #tpu.memory_space<vmem>> -> memref<96xi32, #tpu.memory_space<vmem>>
        %dma_start3A_603 = arith.constant 0 : i32
        %dma_start3A_604 = arith.constant 0 : i32
        %dma_start3A_605 = tpu.memref_slice %arg3[%dma_start3A_603, %dma_start3A_604] : memref<100000x128xf32, #tpu.memory_space<hbm>> -> memref<100000x128xf32, #tpu.memory_space<hbm>>
        %dma_start3A_606 = tpu.memref_slice %arg13[%dma_start3A_596] : memref<4x!tpu.dma_semaphore, #tpu.memory_space<semaphore_mem>> -> memref<1x!tpu.dma_semaphore, #tpu.memory_space<semaphore_mem>>
        %dma_start3A_607 = tpu.memref_squeeze %dma_start3A_606 : memref<1x!tpu.dma_semaphore, #tpu.memory_space<semaphore_mem>> -> memref<!tpu.dma_semaphore, #tpu.memory_space<semaphore_mem>>
        tpu.enqueue_indirect_dma source(%dma_start3A_605 : memref<100000x128xf32, #tpu.memory_space<hbm>>) target(%dma_start3A_599 : memref<96x128xf32, #tpu.memory_space<vmem>>) offsets(%dma_start3A_602 : memref<96xi32, #tpu.memory_space<vmem>>) semaphore(%dma_start3A_607 : memref<!tpu.dma_semaphore, #tpu.memory_space<semaphore_mem>>) {add = true}
      } else {
      }
      %dma_wait3A_474 = arith.constant 0 : i32
      %dma_wait3A_475 = arith.constant 3 : i32
      %dma_wait3A_476 = arith.constant 0 : i32
      %dma_wait3A_477 = arith.constant 0 : i32
      %dma_wait3A_478 = tpu.memref_slice %arg11[%dma_wait3A_476, %dma_wait3A_477] : memref<200x128xf32, #tpu.memory_space<vmem>> -> memref<104x128xf32, #tpu.memory_space<vmem>>
      %dma_wait3A_479 = arith.constant 0 : i32
      %dma_wait3A_480 = tpu.memref_slice %arg6[%add3A_468, %dma_wait3A_474, %dma_wait3A_479] : memref<32x2x104xi32, #tpu.memory_space<vmem>> -> memref<1x1x104xi32, #tpu.memory_space<vmem>>
      %dma_wait3A_481 = tpu.memref_squeeze %dma_wait3A_480 : memref<1x1x104xi32, #tpu.memory_space<vmem>> -> memref<104xi32, #tpu.memory_space<vmem>>
      %dma_wait3A_482 = arith.constant 0 : i32
      %dma_wait3A_483 = arith.constant 0 : i32
      %dma_wait3A_484 = tpu.memref_slice %arg3[%dma_wait3A_482, %dma_wait3A_483] : memref<100000x128xf32, #tpu.memory_space<hbm>> -> memref<100000x128xf32, #tpu.memory_space<hbm>>
      %dma_wait3A_485 = tpu.memref_slice %arg13[%dma_wait3A_475] : memref<4x!tpu.dma_semaphore, #tpu.memory_space<semaphore_mem>> -> memref<1x!tpu.dma_semaphore, #tpu.memory_space<semaphore_mem>>
      %dma_wait3A_486 = tpu.memref_squeeze %dma_wait3A_485 : memref<1x!tpu.dma_semaphore, #tpu.memory_space<semaphore_mem>> -> memref<!tpu.dma_semaphore, #tpu.memory_space<semaphore_mem>>
      tpu.wait_indirect_dma semaphore(%dma_wait3A_486 : memref<!tpu.dma_semaphore, #tpu.memory_space<semaphore_mem>>) src(%dma_wait3A_484 : memref<100000x128xf32, #tpu.memory_space<hbm>>) dst(%dma_wait3A_478 : memref<104x128xf32, #tpu.memory_space<vmem>>)
      %add3A_487 = arith.addi %mul3A_2, %add3A_468 : i32
      %dma_start3A_488 = arith.constant 3 : i32
      %dma_start3A_489 = arith.constant 0 : i32
      %dma_start3A_490 = arith.constant 0 : i32
      %dma_start3A_491 = tpu.memref_slice %arg11[%dma_start3A_489, %dma_start3A_490] : memref<200x128xf32, #tpu.memory_space<vmem>> -> memref<104x128xf32, #tpu.memory_space<vmem>>
      %dma_start3A_492 = arith.constant 0 : i32
      %dma_start3A_493 = arith.constant 0 : i32
      %dma_start3A_494 = tpu.memref_slice %arg5[%add3A_487, %dma_start3A_492, %dma_start3A_493] : memref<1024x200x128xf32, #tpu.memory_space<hbm>> -> memref<1x104x128xf32, #tpu.memory_space<hbm>>
      %dma_start3A_495 = tpu.memref_squeeze %dma_start3A_494 : memref<1x104x128xf32, #tpu.memory_space<hbm>> -> memref<104x128xf32, #tpu.memory_space<hbm>>
      %dma_start3A_496 = tpu.memref_slice %arg14[%dma_start3A_488] : memref<4x!tpu.dma_semaphore, #tpu.memory_space<semaphore_mem>> -> memref<1x!tpu.dma_semaphore, #tpu.memory_space<semaphore_mem>>
      %dma_start3A_497 = tpu.memref_squeeze %dma_start3A_496 : memref<1x!tpu.dma_semaphore, #tpu.memory_space<semaphore_mem>> -> memref<!tpu.dma_semaphore, #tpu.memory_space<semaphore_mem>>
      %dma_start3A_498 = arith.constant 0 : i32
      %dma_start3A_499 = arith.constant 0 : i32
      %dma_start3A_500 = tpu.memref_slice %arg5[%add3A_487, %dma_start3A_498, %dma_start3A_499] : memref<1024x200x128xf32, #tpu.memory_space<hbm>> -> memref<1x104x128xf32, #tpu.memory_space<hbm>>
      %dma_start3A_501 = tpu.memref_squeeze %dma_start3A_500 : memref<1x104x128xf32, #tpu.memory_space<hbm>> -> memref<104x128xf32, #tpu.memory_space<hbm>>
      %dma_start3A_502 = arith.constant 0 : i32
      %dma_start3A_503 = arith.constant 0 : i32
      %dma_start3A_504 = tpu.memref_slice %arg11[%dma_start3A_502, %dma_start3A_503] : memref<200x128xf32, #tpu.memory_space<vmem>> -> memref<104x128xf32, #tpu.memory_space<vmem>>
      tpu.enqueue_dma source(%dma_start3A_504 : memref<104x128xf32, #tpu.memory_space<vmem>>) target(%dma_start3A_501 : memref<104x128xf32, #tpu.memory_space<hbm>>) target_semaphore(%dma_start3A_497 : memref<!tpu.dma_semaphore, #tpu.memory_space<semaphore_mem>>)
      %dma_wait3A_505 = arith.constant 1 : i32
      %dma_wait3A_506 = arith.constant 3 : i32
      %dma_wait3A_507 = arith.constant 104 : i32
      %dma_wait3A_508 = arith.constant 0 : i32
      %dma_wait3A_509 = tpu.memref_slice %arg11[%dma_wait3A_507, %dma_wait3A_508] : memref<200x128xf32, #tpu.memory_space<vmem>> -> memref<96x128xf32, #tpu.memory_space<vmem>>
      %dma_wait3A_510 = arith.constant 0 : i32
      %dma_wait3A_511 = tpu.memref_slice %arg6[%add3A_468, %dma_wait3A_505, %dma_wait3A_510] : memref<32x2x104xi32, #tpu.memory_space<vmem>> -> memref<1x1x96xi32, #tpu.memory_space<vmem>>
      %dma_wait3A_512 = tpu.memref_squeeze %dma_wait3A_511 : memref<1x1x96xi32, #tpu.memory_space<vmem>> -> memref<96xi32, #tpu.memory_space<vmem>>
      %dma_wait3A_513 = arith.constant 0 : i32
      %dma_wait3A_514 = arith.constant 0 : i32
      %dma_wait3A_515 = tpu.memref_slice %arg3[%dma_wait3A_513, %dma_wait3A_514] : memref<100000x128xf32, #tpu.memory_space<hbm>> -> memref<100000x128xf32, #tpu.memory_space<hbm>>
      %dma_wait3A_516 = tpu.memref_slice %arg13[%dma_wait3A_506] : memref<4x!tpu.dma_semaphore, #tpu.memory_space<semaphore_mem>> -> memref<1x!tpu.dma_semaphore, #tpu.memory_space<semaphore_mem>>
      %dma_wait3A_517 = tpu.memref_squeeze %dma_wait3A_516 : memref<1x!tpu.dma_semaphore, #tpu.memory_space<semaphore_mem>> -> memref<!tpu.dma_semaphore, #tpu.memory_space<semaphore_mem>>
      tpu.wait_indirect_dma semaphore(%dma_wait3A_517 : memref<!tpu.dma_semaphore, #tpu.memory_space<semaphore_mem>>) src(%dma_wait3A_515 : memref<100000x128xf32, #tpu.memory_space<hbm>>) dst(%dma_wait3A_509 : memref<96x128xf32, #tpu.memory_space<vmem>>)
      %add3A_518 = arith.addi %mul3A_2, %add3A_468 : i32
      %dma_start3A_519 = arith.constant 3 : i32
      %dma_start3A_520 = arith.constant 104 : i32
      %dma_start3A_521 = arith.constant 0 : i32
      %dma_start3A_522 = tpu.memref_slice %arg11[%dma_start3A_520, %dma_start3A_521] : memref<200x128xf32, #tpu.memory_space<vmem>> -> memref<96x128xf32, #tpu.memory_space<vmem>>
      %dma_start3A_523 = arith.constant 104 : i32
      %dma_start3A_524 = arith.constant 0 : i32
      %dma_start3A_525 = tpu.memref_slice %arg5[%add3A_518, %dma_start3A_523, %dma_start3A_524] : memref<1024x200x128xf32, #tpu.memory_space<hbm>> -> memref<1x96x128xf32, #tpu.memory_space<hbm>>
      %dma_start3A_526 = tpu.memref_squeeze %dma_start3A_525 : memref<1x96x128xf32, #tpu.memory_space<hbm>> -> memref<96x128xf32, #tpu.memory_space<hbm>>
      %dma_start3A_527 = tpu.memref_slice %arg14[%dma_start3A_519] : memref<4x!tpu.dma_semaphore, #tpu.memory_space<semaphore_mem>> -> memref<1x!tpu.dma_semaphore, #tpu.memory_space<semaphore_mem>>
      %dma_start3A_528 = tpu.memref_squeeze %dma_start3A_527 : memref<1x!tpu.dma_semaphore, #tpu.memory_space<semaphore_mem>> -> memref<!tpu.dma_semaphore, #tpu.memory_space<semaphore_mem>>
      %dma_start3A_529 = arith.constant 104 : i32
      %dma_start3A_530 = arith.constant 0 : i32
      %dma_start3A_531 = tpu.memref_slice %arg5[%add3A_518, %dma_start3A_529, %dma_start3A_530] : memref<1024x200x128xf32, #tpu.memory_space<hbm>> -> memref<1x96x128xf32, #tpu.memory_space<hbm>>
      %dma_start3A_532 = tpu.memref_squeeze %dma_start3A_531 : memref<1x96x128xf32, #tpu.memory_space<hbm>> -> memref<96x128xf32, #tpu.memory_space<hbm>>
      %dma_start3A_533 = arith.constant 104 : i32
      %dma_start3A_534 = arith.constant 0 : i32
      %dma_start3A_535 = tpu.memref_slice %arg11[%dma_start3A_533, %dma_start3A_534] : memref<200x128xf32, #tpu.memory_space<vmem>> -> memref<96x128xf32, #tpu.memory_space<vmem>>
      tpu.enqueue_dma source(%dma_start3A_535 : memref<96x128xf32, #tpu.memory_space<vmem>>) target(%dma_start3A_532 : memref<96x128xf32, #tpu.memory_space<hbm>>) target_semaphore(%dma_start3A_528 : memref<!tpu.dma_semaphore, #tpu.memory_space<semaphore_mem>>)
      %dma_wait3A_536 = arith.constant 1 : i32
      %dma_wait3A_537 = arith.constant 0 : i32
      %dma_wait3A_538 = arith.constant 0 : i32
      %dma_wait3A_539 = tpu.memref_slice %arg9[%dma_wait3A_537, %dma_wait3A_538] : memref<200x128xf32, #tpu.memory_space<vmem>> -> memref<104x128xf32, #tpu.memory_space<vmem>>
      %dma_wait3A_540 = arith.constant 0 : i32
      %dma_wait3A_541 = arith.constant 0 : i32
      %dma_wait3A_542 = tpu.memref_slice %arg5[%mul3A_2, %dma_wait3A_540, %dma_wait3A_541] : memref<1024x200x128xf32, #tpu.memory_space<hbm>> -> memref<1x104x128xf32, #tpu.memory_space<hbm>>
      %dma_wait3A_543 = tpu.memref_squeeze %dma_wait3A_542 : memref<1x104x128xf32, #tpu.memory_space<hbm>> -> memref<104x128xf32, #tpu.memory_space<hbm>>
      %dma_wait3A_544 = tpu.memref_slice %arg14[%dma_wait3A_536] : memref<4x!tpu.dma_semaphore, #tpu.memory_space<semaphore_mem>> -> memref<1x!tpu.dma_semaphore, #tpu.memory_space<semaphore_mem>>
      %dma_wait3A_545 = tpu.memref_squeeze %dma_wait3A_544 : memref<1x!tpu.dma_semaphore, #tpu.memory_space<semaphore_mem>> -> memref<!tpu.dma_semaphore, #tpu.memory_space<semaphore_mem>>
      %dma_wait3A_546 = arith.constant 0 : i32
      %dma_wait3A_547 = arith.constant 0 : i32
      %dma_wait3A_548 = tpu.memref_slice %arg5[%mul3A_2, %dma_wait3A_546, %dma_wait3A_547] : memref<1024x200x128xf32, #tpu.memory_space<hbm>> -> memref<1x104x128xf32, #tpu.memory_space<hbm>>
      %dma_wait3A_549 = tpu.memref_squeeze %dma_wait3A_548 : memref<1x104x128xf32, #tpu.memory_space<hbm>> -> memref<104x128xf32, #tpu.memory_space<hbm>>
      %dma_wait3A_550 = arith.constant 0 : i32
      %dma_wait3A_551 = arith.constant 0 : i32
      %dma_wait3A_552 = tpu.memref_slice %arg9[%dma_wait3A_550, %dma_wait3A_551] : memref<200x128xf32, #tpu.memory_space<vmem>> -> memref<104x128xf32, #tpu.memory_space<vmem>>
      tpu.wait_dma2 semaphore(%dma_wait3A_545 : memref<!tpu.dma_semaphore, #tpu.memory_space<semaphore_mem>>) src(%dma_wait3A_552 : memref<104x128xf32, #tpu.memory_space<vmem>>) dst(%dma_wait3A_549 : memref<104x128xf32, #tpu.memory_space<hbm>>)
      %dma_wait3A_553 = arith.constant 1 : i32
      %dma_wait3A_554 = arith.constant 104 : i32
      %dma_wait3A_555 = arith.constant 0 : i32
      %dma_wait3A_556 = tpu.memref_slice %arg9[%dma_wait3A_554, %dma_wait3A_555] : memref<200x128xf32, #tpu.memory_space<vmem>> -> memref<96x128xf32, #tpu.memory_space<vmem>>
      %dma_wait3A_557 = arith.constant 104 : i32
      %dma_wait3A_558 = arith.constant 0 : i32
      %dma_wait3A_559 = tpu.memref_slice %arg5[%mul3A_2, %dma_wait3A_557, %dma_wait3A_558] : memref<1024x200x128xf32, #tpu.memory_space<hbm>> -> memref<1x96x128xf32, #tpu.memory_space<hbm>>
      %dma_wait3A_560 = tpu.memref_squeeze %dma_wait3A_559 : memref<1x96x128xf32, #tpu.memory_space<hbm>> -> memref<96x128xf32, #tpu.memory_space<hbm>>
      %dma_wait3A_561 = tpu.memref_slice %arg14[%dma_wait3A_553] : memref<4x!tpu.dma_semaphore, #tpu.memory_space<semaphore_mem>> -> memref<1x!tpu.dma_semaphore, #tpu.memory_space<semaphore_mem>>
      %dma_wait3A_562 = tpu.memref_squeeze %dma_wait3A_561 : memref<1x!tpu.dma_semaphore, #tpu.memory_space<semaphore_mem>> -> memref<!tpu.dma_semaphore, #tpu.memory_space<semaphore_mem>>
      %dma_wait3A_563 = arith.constant 104 : i32
      %dma_wait3A_564 = arith.constant 0 : i32
      %dma_wait3A_565 = tpu.memref_slice %arg5[%mul3A_2, %dma_wait3A_563, %dma_wait3A_564] : memref<1024x200x128xf32, #tpu.memory_space<hbm>> -> memref<1x96x128xf32, #tpu.memory_space<hbm>>
      %dma_wait3A_566 = tpu.memref_squeeze %dma_wait3A_565 : memref<1x96x128xf32, #tpu.memory_space<hbm>> -> memref<96x128xf32, #tpu.memory_space<hbm>>
      %dma_wait3A_567 = arith.constant 104 : i32
      %dma_wait3A_568 = arith.constant 0 : i32
      %dma_wait3A_569 = tpu.memref_slice %arg9[%dma_wait3A_567, %dma_wait3A_568] : memref<200x128xf32, #tpu.memory_space<vmem>> -> memref<96x128xf32, #tpu.memory_space<vmem>>
      tpu.wait_dma2 semaphore(%dma_wait3A_562 : memref<!tpu.dma_semaphore, #tpu.memory_space<semaphore_mem>>) src(%dma_wait3A_569 : memref<96x128xf32, #tpu.memory_space<vmem>>) dst(%dma_wait3A_566 : memref<96x128xf32, #tpu.memory_space<hbm>>)
      %add3A_570 = arith.constant 2 : i32
      %add3A_571 = arith.addi %add3A_468, %add3A_570 : i32
      %lt3A_572 = arith.constant 32 : i32
      %lt3A_573 = arith.cmpi slt, %add3A_571, %lt3A_572 : i32
      %convert_element_type3A_574 = arith.extui %lt3A_573 : i1 to i32
      %cond3A_575 = arith.constant 0 : i32
      %cond3A_576 = arith.cmpi ne, %convert_element_type3A_574, %cond3A_575 : i32
      scf.if %cond3A_576 {
        %dma_start3A_577 = arith.constant 1 : i32
        %dma_start3A_578 = tpu.memref_slice %arg12[%dma_start3A_577] : memref<4x!tpu.dma_semaphore, #tpu.memory_space<semaphore_mem>> -> memref<1x!tpu.dma_semaphore, #tpu.memory_space<semaphore_mem>>
        %dma_start3A_579 = tpu.memref_squeeze %dma_start3A_578 : memref<1x!tpu.dma_semaphore, #tpu.memory_space<semaphore_mem>> -> memref<!tpu.dma_semaphore, #tpu.memory_space<semaphore_mem>>
        tpu.enqueue_dma source(%arg7 : memref<200x128xf32, #tpu.memory_space<vmem_shared>>) target(%arg9 : memref<200x128xf32, #tpu.memory_space<vmem>>) target_semaphore(%dma_start3A_579 : memref<!tpu.dma_semaphore, #tpu.memory_space<semaphore_mem>>)
      } else {
      }
    }
    %scan3A_47 = arith.constant 8 : i32
    %dma_wait3A_48 = arith.constant 2 : i32
    %dma_wait3A_49 = arith.constant 0 : i32
    %dma_wait3A_50 = arith.constant 0 : i32
    %dma_wait3A_51 = tpu.memref_slice %arg10[%dma_wait3A_49, %dma_wait3A_50] : memref<200x128xf32, #tpu.memory_space<vmem>> -> memref<104x128xf32, #tpu.memory_space<vmem>>
    %dma_wait3A_52 = arith.constant 0 : i32
    %dma_wait3A_53 = arith.constant 0 : i32
    %dma_wait3A_54 = tpu.memref_slice %arg5[%mul3A_2, %dma_wait3A_52, %dma_wait3A_53] : memref<1024x200x128xf32, #tpu.memory_space<hbm>> -> memref<1x104x128xf32, #tpu.memory_space<hbm>>
    %dma_wait3A_55 = tpu.memref_squeeze %dma_wait3A_54 : memref<1x104x128xf32, #tpu.memory_space<hbm>> -> memref<104x128xf32, #tpu.memory_space<hbm>>
    %dma_wait3A_56 = tpu.memref_slice %arg14[%dma_wait3A_48] : memref<4x!tpu.dma_semaphore, #tpu.memory_space<semaphore_mem>> -> memref<1x!tpu.dma_semaphore, #tpu.memory_space<semaphore_mem>>
    %dma_wait3A_57 = tpu.memref_squeeze %dma_wait3A_56 : memref<1x!tpu.dma_semaphore, #tpu.memory_space<semaphore_mem>> -> memref<!tpu.dma_semaphore, #tpu.memory_space<semaphore_mem>>
    %dma_wait3A_58 = arith.constant 0 : i32
    %dma_wait3A_59 = arith.constant 0 : i32
    %dma_wait3A_60 = tpu.memref_slice %arg5[%mul3A_2, %dma_wait3A_58, %dma_wait3A_59] : memref<1024x200x128xf32, #tpu.memory_space<hbm>> -> memref<1x104x128xf32, #tpu.memory_space<hbm>>
    %dma_wait3A_61 = tpu.memref_squeeze %dma_wait3A_60 : memref<1x104x128xf32, #tpu.memory_space<hbm>> -> memref<104x128xf32, #tpu.memory_space<hbm>>
    %dma_wait3A_62 = arith.constant 0 : i32
    %dma_wait3A_63 = arith.constant 0 : i32
    %dma_wait3A_64 = tpu.memref_slice %arg10[%dma_wait3A_62, %dma_wait3A_63] : memref<200x128xf32, #tpu.memory_space<vmem>> -> memref<104x128xf32, #tpu.memory_space<vmem>>
    tpu.wait_dma2 semaphore(%dma_wait3A_57 : memref<!tpu.dma_semaphore, #tpu.memory_space<semaphore_mem>>) src(%dma_wait3A_64 : memref<104x128xf32, #tpu.memory_space<vmem>>) dst(%dma_wait3A_61 : memref<104x128xf32, #tpu.memory_space<hbm>>)
    %dma_wait3A_65 = arith.constant 2 : i32
    %dma_wait3A_66 = arith.constant 104 : i32
    %dma_wait3A_67 = arith.constant 0 : i32
    %dma_wait3A_68 = tpu.memref_slice %arg10[%dma_wait3A_66, %dma_wait3A_67] : memref<200x128xf32, #tpu.memory_space<vmem>> -> memref<96x128xf32, #tpu.memory_space<vmem>>
    %dma_wait3A_69 = arith.constant 104 : i32
    %dma_wait3A_70 = arith.constant 0 : i32
    %dma_wait3A_71 = tpu.memref_slice %arg5[%mul3A_2, %dma_wait3A_69, %dma_wait3A_70] : memref<1024x200x128xf32, #tpu.memory_space<hbm>> -> memref<1x96x128xf32, #tpu.memory_space<hbm>>
    %dma_wait3A_72 = tpu.memref_squeeze %dma_wait3A_71 : memref<1x96x128xf32, #tpu.memory_space<hbm>> -> memref<96x128xf32, #tpu.memory_space<hbm>>
    %dma_wait3A_73 = tpu.memref_slice %arg14[%dma_wait3A_65] : memref<4x!tpu.dma_semaphore, #tpu.memory_space<semaphore_mem>> -> memref<1x!tpu.dma_semaphore, #tpu.memory_space<semaphore_mem>>
    %dma_wait3A_74 = tpu.memref_squeeze %dma_wait3A_73 : memref<1x!tpu.dma_semaphore, #tpu.memory_space<semaphore_mem>> -> memref<!tpu.dma_semaphore, #tpu.memory_space<semaphore_mem>>
    %dma_wait3A_75 = arith.constant 104 : i32
    %dma_wait3A_76 = arith.constant 0 : i32
    %dma_wait3A_77 = tpu.memref_slice %arg5[%mul3A_2, %dma_wait3A_75, %dma_wait3A_76] : memref<1024x200x128xf32, #tpu.memory_space<hbm>> -> memref<1x96x128xf32, #tpu.memory_space<hbm>>
    %dma_wait3A_78 = tpu.memref_squeeze %dma_wait3A_77 : memref<1x96x128xf32, #tpu.memory_space<hbm>> -> memref<96x128xf32, #tpu.memory_space<hbm>>
    %dma_wait3A_79 = arith.constant 104 : i32
    %dma_wait3A_80 = arith.constant 0 : i32
    %dma_wait3A_81 = tpu.memref_slice %arg10[%dma_wait3A_79, %dma_wait3A_80] : memref<200x128xf32, #tpu.memory_space<vmem>> -> memref<96x128xf32, #tpu.memory_space<vmem>>
    tpu.wait_dma2 semaphore(%dma_wait3A_74 : memref<!tpu.dma_semaphore, #tpu.memory_space<semaphore_mem>>) src(%dma_wait3A_81 : memref<96x128xf32, #tpu.memory_space<vmem>>) dst(%dma_wait3A_78 : memref<96x128xf32, #tpu.memory_space<hbm>>)
    %dma_wait3A_82 = arith.constant 3 : i32
    %dma_wait3A_83 = arith.constant 0 : i32
    %dma_wait3A_84 = arith.constant 0 : i32
    %dma_wait3A_85 = tpu.memref_slice %arg11[%dma_wait3A_83, %dma_wait3A_84] : memref<200x128xf32, #tpu.memory_space<vmem>> -> memref<104x128xf32, #tpu.memory_space<vmem>>
    %dma_wait3A_86 = arith.constant 0 : i32
    %dma_wait3A_87 = arith.constant 0 : i32
    %dma_wait3A_88 = tpu.memref_slice %arg5[%mul3A_2, %dma_wait3A_86, %dma_wait3A_87] : memref<1024x200x128xf32, #tpu.memory_space<hbm>> -> memref<1x104x128xf32, #tpu.memory_space<hbm>>
    %dma_wait3A_89 = tpu.memref_squeeze %dma_wait3A_88 : memref<1x104x128xf32, #tpu.memory_space<hbm>> -> memref<104x128xf32, #tpu.memory_space<hbm>>
    %dma_wait3A_90 = tpu.memref_slice %arg14[%dma_wait3A_82] : memref<4x!tpu.dma_semaphore, #tpu.memory_space<semaphore_mem>> -> memref<1x!tpu.dma_semaphore, #tpu.memory_space<semaphore_mem>>
    %dma_wait3A_91 = tpu.memref_squeeze %dma_wait3A_90 : memref<1x!tpu.dma_semaphore, #tpu.memory_space<semaphore_mem>> -> memref<!tpu.dma_semaphore, #tpu.memory_space<semaphore_mem>>
    %dma_wait3A_92 = arith.constant 0 : i32
    %dma_wait3A_93 = arith.constant 0 : i32
    %dma_wait3A_94 = tpu.memref_slice %arg5[%mul3A_2, %dma_wait3A_92, %dma_wait3A_93] : memref<1024x200x128xf32, #tpu.memory_space<hbm>> -> memref<1x104x128xf32, #tpu.memory_space<hbm>>
    %dma_wait3A_95 = tpu.memref_squeeze %dma_wait3A_94 : memref<1x104x128xf32, #tpu.memory_space<hbm>> -> memref<104x128xf32, #tpu.memory_space<hbm>>
    %dma_wait3A_96 = arith.constant 0 : i32
    %dma_wait3A_97 = arith.constant 0 : i32
    %dma_wait3A_98 = tpu.memref_slice %arg11[%dma_wait3A_96, %dma_wait3A_97] : memref<200x128xf32, #tpu.memory_space<vmem>> -> memref<104x128xf32, #tpu.memory_space<vmem>>
    tpu.wait_dma2 semaphore(%dma_wait3A_91 : memref<!tpu.dma_semaphore, #tpu.memory_space<semaphore_mem>>) src(%dma_wait3A_98 : memref<104x128xf32, #tpu.memory_space<vmem>>) dst(%dma_wait3A_95 : memref<104x128xf32, #tpu.memory_space<hbm>>)
    %dma_wait3A_99 = arith.constant 3 : i32
    %dma_wait3A_100 = arith.constant 104 : i32
    %dma_wait3A_101 = arith.constant 0 : i32
    %dma_wait3A_102 = tpu.memref_slice %arg11[%dma_wait3A_100, %dma_wait3A_101] : memref<200x128xf32, #tpu.memory_space<vmem>> -> memref<96x128xf32, #tpu.memory_space<vmem>>
    %dma_wait3A_103 = arith.constant 104 : i32
    %dma_wait3A_104 = arith.constant 0 : i32
    %dma_wait3A_105 = tpu.memref_slice %arg5[%mul3A_2, %dma_wait3A_103, %dma_wait3A_104] : memref<1024x200x128xf32, #tpu.memory_space<hbm>> -> memref<1x96x128xf32, #tpu.memory_space<hbm>>
    %dma_wait3A_106 = tpu.memref_squeeze %dma_wait3A_105 : memref<1x96x128xf32, #tpu.memory_space<hbm>> -> memref<96x128xf32, #tpu.memory_space<hbm>>
    %dma_wait3A_107 = tpu.memref_slice %arg14[%dma_wait3A_99] : memref<4x!tpu.dma_semaphore, #tpu.memory_space<semaphore_mem>> -> memref<1x!tpu.dma_semaphore, #tpu.memory_space<semaphore_mem>>
    %dma_wait3A_108 = tpu.memref_squeeze %dma_wait3A_107 : memref<1x!tpu.dma_semaphore, #tpu.memory_space<semaphore_mem>> -> memref<!tpu.dma_semaphore, #tpu.memory_space<semaphore_mem>>
    %dma_wait3A_109 = arith.constant 104 : i32
    %dma_wait3A_110 = arith.constant 0 : i32
    %dma_wait3A_111 = tpu.memref_slice %arg5[%mul3A_2, %dma_wait3A_109, %dma_wait3A_110] : memref<1024x200x128xf32, #tpu.memory_space<hbm>> -> memref<1x96x128xf32, #tpu.memory_space<hbm>>
    %dma_wait3A_112 = tpu.memref_squeeze %dma_wait3A_111 : memref<1x96x128xf32, #tpu.memory_space<hbm>> -> memref<96x128xf32, #tpu.memory_space<hbm>>
    %dma_wait3A_113 = arith.constant 104 : i32
    %dma_wait3A_114 = arith.constant 0 : i32
    %dma_wait3A_115 = tpu.memref_slice %arg11[%dma_wait3A_113, %dma_wait3A_114] : memref<200x128xf32, #tpu.memory_space<vmem>> -> memref<96x128xf32, #tpu.memory_space<vmem>>
    tpu.wait_dma2 semaphore(%dma_wait3A_108 : memref<!tpu.dma_semaphore, #tpu.memory_space<semaphore_mem>>) src(%dma_wait3A_115 : memref<96x128xf32, #tpu.memory_space<vmem>>) dst(%dma_wait3A_112 : memref<96x128xf32, #tpu.memory_space<hbm>>)
    return
  }
}

</mosaic_0001>

<sc_bundles>
// kernel: kernel.3.cloned.1.call-start
scs
__scs_entry_jumppad:
0x0: {  	(pc) =	sbr.rel $0x88, $3  }
0x1: {  	(tag) =	ssettag $0x0;
	lr =	simm.s32 $0x1  }
0x2: {  	[smem:$0x3F9E] =	sst lr;
	_ =	strace $0xD0000000  }
0x3: {  	_ = 	snop  }
0x4: {  	_ = 	snop  }
0x5: {  	_ = 	snop  }
0x6: {  	_ = 	snop  }
0x7: {  	_ = 	snop  }
__scs_overlays_trampoline_lowered:
0x8: {  	[smem:$0x3FAD] =	sst s0  }
0x9: {  	[smem:$0x3FAE] =	sst s1  }
0xa: {  	[smem:$0x3FAF] =	sst s2  }
0xb: {  	[smem:$0x3FB0] =	sst s3  }
0xc: {  	[smem:$0x3FB1] =	sst s4  }
0xd: {  	[smem:$0x3FB2] =	sst s5  }
0xe: {  	[smem:$0x3FB3] =	sst s6  }
0xf: {  	[smem:$0x3FB4] =	sst s7  }
0x10: {  	[smem:$0x3FB5] =	sst s8  }
0x11: {  	[smem:$0x3FB6] =	sst s9;
	s0 =	simm.s32 @!p0 $0x0  }
0x12: {  	s1 =	sld [smem:$0x3F9C];
	s0 =	simm.s32 @p0 $0x1  }
0x13: {  	[smem:$0x3FB7] =	sst s0;
	s0 =	simm.s32 @!p1 $0x0  }
0x14: {  	s2 =	sld [smem:$0x3F9B];
	s0 =	simm.s32 @p1 $0x1  }
0x15: {  	[smem:$0x3FB8] =	sst s0;
	s0 =	simm.s32 @!p2 $0x0  }
0x16: {  	s3 =	sld [smem:$0x3FDB];
	s0 =	simm.s32 @p2 $0x1  }
0x17: {  	s4 =	simm.s32 $0x1BF5;
	[smem:$0x3FBA] =	sst s0  }
0x18: {  	s0 =	sld [smem:$0x3F9D];
	_ =	swait.ge [sflag:s4], $0x0  }
0x19: {  	s7 =	sld [smem:$0x3F9E]  }
0x1a: {  	s8 =	sadd.s32 $0xFFFFE003, lr  }
0x1b: {  	s9 =	sadd.s32 $0xFFFFFEF7, lr;
	s5 =	simm.s32 $0xFFFFFFFF;
	p2 =	slt.u32 s8, $0xFFFFF086  }
0x1c: {  	p1 =	slt.u32 s9, $0xF7A;
	s5 =	simm.s32 @!p2 $0x0  }
0x1d: {  	s5 =	simm.s32 @p1 $0x1;
	p0 =	seq.s32 s7, s2  }
0x1e: {  	s7 =	smul.u32 @!p0 $0xF7A, s2;
	p2 =	seq.s32 @!p0 s5, $0x0  }
0x1f: {  	s9 =	smul.u32 $0xF7A, s1;
	s8 =	simm.s32 @!p0 $0x1BF5;
	p2 =	por !p2, p0  }
0x20: {  	[sflag:s8] =	ssyncset.s32 @!p0 $0xFFFFF086;
	s6 =	sadd.s32 @!p0 s3, s7;
	s7 =	simm.s32 @!p0 $0x108  }
0x21: {  	s3 =	sadd.s32 s3, s9;
	s6 =	sadd.s32 @!p0 $0x88, s6;
	s7 =	simm.s32 @p2 $0x1082  }
0x22: {  	[simem:s7], [sflag:s8] =	dma.local @!p0 [hbm:s6], $0xF7A  }
0x23: {  	s9 =	sor.u32 $0xD0000000, s2;
	s6 =	simm.s32 $0x108;
	_ =	swait.ge @!p0 [sflag:s8], $0x0  }
0x24: {  	s3 =	sadd.s32 $0x88, s3;
	s6 =	simm.s32 @!p1 $0x1082;
	[sflag:s4] =	ssyncset.s32 $0xFFFFF086  }
0x25: {  	[simem:s6], [sflag:s4] =	dma.local [hbm:s3], $0xF7A  }
0x26: {  	[smem:$0x3F9E] =	sst s1;
	(tag) =	ssettag s2;
	_ =	strace s9  }
0x27: {  	s1 =	sld [smem:$0x3FAE]  }
0x28: {  	s2 =	sld [smem:$0x3FAF]  }
0x29: {  	s4 =	sld [smem:$0x3FB1]  }
0x2a: {  	p0 =	seq.s32 s5, $0x0;
	s5 =	sld [smem:$0x3FB2]  }
0x2b: {  	s6 =	sld [smem:$0x3FB3]  }
0x2c: {  	s7 =	sld [smem:$0x3FB4]  }
0x2d: {  	s3 =	simm.s32 $0x108;
	s8 =	sld [smem:$0x3FB5]  }
0x2e: {  	s3 =	simm.s32 @!p0 $0x1082;
	s9 =	sld [smem:$0x3FB6]  }
0x2f: {  	lr =	sadd.s32 s0, s3;
	s0 =	sld [smem:$0x3FAD]  }
0x30: {  	s3 =	sld [smem:$0x3FB0]  }
0x31: {  	[smem:$0x3FB9] =	sst s10  }
0x32: {  	s10 =	sld [smem:$0x3FB7];
	_ =	sdelay $0x3  }
0x33: {  	p0 =	seq.s32 s10, $0x1;
	s10 =	sld [smem:$0x3FB9];
	_ =	sdelay $0x3  }
0x34: {  	[smem:$0x3FB9] =	sst s10  }
0x35: {  	s10 =	sld [smem:$0x3FB8];
	_ =	sdelay $0x3  }
0x36: {  	p1 =	seq.s32 s10, $0x1;
	s10 =	sld [smem:$0x3FB9];
	_ =	sdelay $0x3  }
0x37: {  	[smem:$0x3FB9] =	sst s10  }
0x38: {  	s10 =	sld [smem:$0x3FBA]  }
0x39: {  	_ = 	snop;
	(pc) =	sbr.ind lr, $3  }
0x3a: {  	_ = 	snop  }
0x3b: {  	_ = 	snop  }
0x3c: {  	p2 =	seq.s32 s10, $0x1;
	s10 =	sld [smem:$0x3FB9]  }
0x3d: {  	_ =	shalt  }
0x3e: {  	_ =	shalt  }
0x3f: {  	_ =	shalt  }
0x40: {  	_ =	shalt  }
0x41: {  	_ =	shalt  }
0x42: {  	_ =	shalt  }
0x43: {  	_ =	shalt  }
0x44: {  	_ =	shalt  }
0x45: {  	_ =	shalt  }
0x46: {  	_ =	shalt  }
0x47: {  	_ =	shalt  }
0x48: {  	_ =	shalt  }
0x49: {  	_ =	shalt  }
0x4a: {  	_ =	shalt  }
0x4b: {  	_ =	shalt  }
0x4c: {  	_ =	shalt  }
0x4d: {  	_ =	shalt  }
0x4e: {  	_ =	shalt  }
0x4f: {  	_ =	shalt  }
0x50: {  	_ =	shalt  }
0x51: {  	_ =	shalt  }
0x52: {  	_ =	shalt  }
0x53: {  	_ =	shalt  }
0x54: {  	_ =	shalt  }
0x55: {  	_ =	shalt  }
0x56: {  	_ =	shalt  }
0x57: {  	_ =	shalt  }
0x58: {  	_ =	shalt  }
0x59: {  	_ =	shalt  }
0x5a: {  	_ =	shalt  }
0x5b: {  	_ =	shalt  }
0x5c: {  	_ =	shalt  }
0x5d: {  	_ =	shalt  }
0x5e: {  	_ =	shalt  }
0x5f: {  	_ =	shalt  }
0x60: {  	_ =	shalt  }
0x61: {  	_ =	shalt  }
0x62: {  	_ =	shalt  }
0x63: {  	_ =	shalt  }
0x64: {  	_ =	shalt  }
0x65: {  	_ =	shalt  }
0x66: {  	_ =	shalt  }
0x67: {  	_ =	shalt  }
0x68: {  	_ =	shalt  }
0x69: {  	_ =	shalt  }
0x6a: {  	_ =	shalt  }
0x6b: {  	_ =	shalt  }
0x6c: {  	_ =	shalt  }
0x6d: {  	_ =	shalt  }
0x6e: {  	_ =	shalt  }
0x6f: {  	_ =	shalt  }
0x70: {  	_ =	shalt  }
0x71: {  	_ =	shalt  }
0x72: {  	_ =	shalt  }
0x73: {  	_ =	shalt  }
0x74: {  	_ =	shalt  }
0x75: {  	_ =	shalt  }
0x76: {  	_ =	shalt  }
0x77: {  	_ =	shalt  }
0x78: {  	_ =	shalt  }
0x79: {  	_ =	shalt  }
0x7a: {  	_ =	shalt  }
0x7b: {  	_ =	shalt  }
0x7c: {  	_ =	shalt  }
0x7d: {  	_ =	shalt  }
0x7e: {  	_ =	shalt  }
0x7f: {  	_ =	shalt  }
0x80: {  	_ =	shalt  }
0x81: {  	_ =	shalt  }
0x82: {  	_ =	shalt  }
0x83: {  	_ =	shalt  }
0x84: {  	_ =	shalt  }
0x85: {  	_ =	shalt  }
0x86: {  	_ =	shalt  }
0x87: {  	_ =	shalt  }
.Lfunc_end0:
.L_simem_size_0:
called_computation_lowered:
.L_overlay_start_0:
0x88: {  	s2 =	sld [smem:$0x3FD9]  }
0x89: {  	s3 =	sld [smem:$0x3FFE];
	_ =	sdelay $0x1  }
0x8a: {  	s1 =	srdreg.scid  }
0x8b: {  	s0 =	sand.u32 $0x1, s1  }
0x8c: {  	s17 =	sshll.u32 s0, $0xA;
	s2 =	sadd.s32 s3, s2  }
0x8d: {  	s2 =	sadd.s32 s2, s17  }
0x8e: {  	[smem:$0x3FC5] =	sst s2  }
0x8f: {  	_ = 	snop  }
0x90: {  	s2 =	sld [smem:$0x3FC8]  }
0x91: {  	s18 =	sld [smem:$0x3FC7]  }
0x92: {  	s4 =	sld [smem:$0x3FD0];
	(tm) =	ssettm $0x1  }
0x93: {  	s5 =	sld [smem:$0x3FFB];
	_ =	sdelay $0x3  }
0x94: {  	_ =	strace s5  }
0x95: {  	s5 =	sld [smem:$0x3FFC];
	_ =	sdelay $0x3  }
0x96: {  	_ =	strace s5  }
0x97: {  	s5 =	sld [smem:$0x3FFD];
	_ =	sdelay $0x3  }
0x98: {  	_ =	strace s5  }
0x99: {  	_ =	strace $0x8FFFFFFF  }
0x9a: {  	s19 =	sld [smem:$0x3FDB];
	_ =	sdelay $0x1  }
0x9b: {  	s6 =	simm.s32 $_scs_section_size  }
0x9c: {  	s7 =	simm.s32 $_size__tile_overlayer_lowered;
	s8 =	simm.s32 $_tile_overlayer_lowered  }
0x9d: {  	s22 =	simm.s32 $0x1BFF;
	s21 =	sshll.u32 s8, $0x1;
	s5 =	sadd.s32 s6, s19  }
0x9e: {  	s9 =	simm.s32 $0x0;
	s20 =	sshll.u32 s7, $0x1;
	s7 =	sadd.s32 s21, s5  }
0x9f: {  	[timem:s9], [sflag:s22] =	dma.local [hbm:s7], s20  }
0xa0: {  	_ =	swait.ge [sflag:s22], s20  }
0xa1: {  	s6 =	ssub.s32 $0x0, s20;
	[sflag:s22] =	ssyncset.done $0x0  }
0xa2: {  	[sflag:s22] =	ssyncadd.s32 s6;
	_ =	sdelay $0x1  }
0xa3: {  	s23 =	simm.s32 $0x1B8B  }
0xa4: {  	_ =	swait.ge [sflag:s23], $0x1  }
0xa5: {  	[sflag:s23] =	ssyncset.done $0x0  }
0xa6: {  	s25 =	simm.s32 $0x1B8E;
	s24 =	sld [smem:$0x3FFE];
	[sflag:s23] =	ssyncadd.s32 $0xFFFFFFFF  }
0xa7: {  	s26 =	simm.s32 $execute0_lowered;
	[smem:$0x3FD2] =	sst s25  }
0xa8: {  	s7 =	sshll.u32 s26, $0x1;
	_ =	strace $0x80000046;
	[dreg:$0x1] =	wrdreg $0xFFFFFFFF  }
0xa9: {  	s28 =	simm.s32 $_size_execute0_lowered;
	s5 =	sadd.s32 s5, s7;
	[dreg:$0x0] =	wrdreg $0x0  }
0xaa: {  	s7 =	sshll.u32 s28, $0x1;
	[dreg:$0x2] =	wrdreg s5  }
0xab: {  	[dreg:$0x3] =	wrdreg s7  }
0xac: {  	[dreg:$0x4] =	wrdreg $0xC0  }
0xad: {  	_ =	task [dreg:s9], $0x5FFFF  }
0xae: {  	[dreg:$0x1] =	wrdreg $0xFFFFFFFF  }
0xaf: {  	[dreg:$0x0] =	wrdreg $0x60  }
0xb0: {  	[dreg:$0x2] =	wrdreg s24  }
0xb1: {  	[dreg:$0x3] =	wrdreg s2  }
0xb2: {  	[dreg:$0x4] =	wrdreg s18  }
0xb3: {  	[dreg:$0x5] =	wrdreg s4  }
0xb4: {  	[dreg:$0x6] =	wrdreg $0x20000  }
0xb5: {  	[dreg:$0x7] =	wrdreg $0x9  }
0xb6: {  	_ =	task.clear_ibuf [dreg:s9], $0x8FFFF;
	_ =	strace $0x90000046  }
0xb7: {  	s29 =	simm.s32 $0x9;
	_ =	strace $0x80000048  }
0xb8: {  	_ =	swait.ge [sflag:s29], $0x1  }
0xb9: {  	[sflag:s29] =	ssyncadd.s32 $0xFFFFFFFF  }
0xba: {  	_ =	strace $0x90000048  }
0xbb: {  	_ =	sfence  }
0xbc: {  	s30 =	sld [smem:$0x0];
	_ =	sdelay $0x2  }
0xbd: {  	s31 =	sshll.u32 s1, $0xD;
	s1 =	sshrl.u32 s1, $0x2  }
0xbe: {  	s3 =	sand.u32 $0x4000, s31;
	s1 =	sadd.s32 s1, s30  }
0xbf: {  	s0 =	sor.u32 s3, s0;
	s1 =	sshll.u32 s1, $0x11  }
0xc0: {  	s0 =	sor.u32 s1, s0  }
0xc1: {  	s0 =	sadd.s32 $0x8F2B, s0  }
0xc2: {  	[sflag:s0] =	ssyncadd.remote.s32 $0x1  }
0xc3: {  	_ =	sfence.sel $0xFFFF  }
0xc4: {  	[dreg:$0x0] =	wrdreg $0xFFFFFFFF;
	(pc) =	sbr.abs _section_cstart, $3  }
0xc5: {  	[dreg:$0x1] =	wrdreg $0xFFFFFFFF  }
0xc6: {  	_ =	task.clear_ibuf [dreg:s9], $0x2FFFF;
	_ =	strace $0x9FFFFFFF  }
0xc7: {  	(tm) =	ssettm $0x7FFFFFFF  }
tec
execute0_lowered:
.L_overlay_start_1:
0x0: {  	(tag) =	ssettag $0x1  }
0x1: {  	s0 =	rddreg [dreg:$0x0]  }
0x2: {  	s1 =	rddreg [dreg:$0x1]  }
0x3: {  	s4 =	rddreg [dreg:$0x4];
	s5 =	simm.s32 $0x0;
	s2 =	srdreg.scid  }
0x4: {  	s3 =	stileid.u32;
	s17 =	simm.s32 $0x8A40;
	s18 =	simm.s32 $0xEE40  }
0x5: {  	s28 =	simm.s32 $0x3;
	s29 =	simm.s32 $0x12240;
	s30 =	simm.s32 $0x6  }
0x6: {  	s31 =	simm.s32 $0x15240;
	s14 =	simm.s32 $0x0;
	[smem:$0x7FF] =	sst s5  }
0x7: {  	s2 =	sand.u32 $0x1, s2;
	s6 =	sshll.u32 s3, $0xA;
	s10 =	smul.u32 $0xC8000, s3  }
0x8: {  	s23 =	smul.u32 $0x19000, s3;
	p0 =	sne.s32 s3, $0x0;
	s3 =	simm.s32 $0x7  }
0x9: {  	s7 =	sshll.u32 s2, $0xE;
	s8 =	ssub.s32 $0x2, s2;
	s9 =	smul.u32 $0xC80000, s2  }
0xa: {  	_ =	strace $0x80000047;
	s2 =	smul.u32 $0x190000, s2;
	s6 =	sor.u32 s6, s7  }
0xb: {  	s19 =	sshrl.u32 s8, $0x1;
	s7 =	simm.s32 $0xA;
	s0 =	sadd.s32 s6, s0  }
0xc: {  	s20 =	ssub.s32 s8, s19;
	s21 =	sadd.s32 s10, s9;
	s11 =	sadd.s32 s23, s2  }
0xd: {  	s2 =	simm.s32 $0x18640;
	s0 =	sadd.s32 $0x400, s0;
	s6 =	smax.u32 s20, $0x1  }
0xe: {  	s22 =	sor.u32 $0x3400, s21;
	s24 =	sshrl.u32 s21, $0x3;
	[dreg:$0x6] =	wrdreg s0  }
0xf: {  	s25 =	sadd.s32 $0x16000, s21;
	s26 =	sadd.s32 $0xFC00, s21;
	[dreg:$0x7] =	wrdreg s6  }
0x10: {  	s20 =	simm.s32 $0x68;
	s6 =	sshrl.u32 s22, $0x3;
	[dreg:$0x9] =	wrdreg s24  }
.Ltmp0:
0x11: {  	s10 =	sshrl.u32 s25, $0x3;
	s12 =	sshrl.u32 s26, $0x3;
	(pc) =	sbr.rel .LBB2_1-.Ltmp0, $4  }
0x12: {  	s0 =	sadd.s32 $0x9800, s21;
	s21 =	simm.s32 $0x60;
	s24 =	simm.s32 $0x2  }
0x13: {  	s25 =	simm.s32 $0xBE40;
	s26 =	simm.s32 $0x5;
	s22 =	simm.s32 $0x9  }
0x14: {  	[dreg:$0x8] =	wrdreg s6;
	s13 =	sshrl.u32 s0, $0x3;
	s0 =	sshrl.u32 @!p0 s4, $0x3  }
0x15: {  	s6 =	simm.s32 $0x8;
	[dreg:$0xa] =	wrdreg s0;
	s0 =	simm.s32 $0x4  }
.LBB2_4:
0x16: {  	s8 =	simm.s32 $0xB  }
0x17: {  	_ =	swait.ge [sflag:s8], $0x3400  }
0x18: {  	[sflag:s8] =	ssyncset.done $0x0  }
0x19: {  	[sflag:s8] =	ssyncadd.s32 $0xFFFFCC00  }
0x1a: {  	_ =	swait.ge [sflag:s8], $0x3000  }
0x1b: {  	[sflag:s8] =	ssyncset.done $0x0  }
0x1c: {  	s9 =	simm.s32 $0xC;
	[sflag:s8] =	ssyncadd.s32 $0xFFFFD000  }
0x1d: {  	_ =	swait.ge [sflag:s9], $0x3400  }
0x1e: {  	[sflag:s9] =	ssyncset.done $0x0  }
0x1f: {  	[sflag:s9] =	ssyncadd.s32 $0xFFFFCC00  }
0x20: {  	_ =	swait.ge [sflag:s9], $0x3000  }
0x21: {  	s14 =	rddreg [dreg:$0xb]  }
0x22: {  	s23 =	rddreg [dreg:$0x7];
	s14 =	sadd.s32 $0x1, s14  }
0x23: {  	p1 =	sne.s32 s14, s23  }
.Ltmp1:
0x24: {  	_ = 	snop;
	(pc) =	sbr.rel @!p1 .LBB2_5-.Ltmp1, $3  }
0x25: {  	_ =	sdelay $0x1  }
0x26: {  	[sflag:s9] =	ssyncset.done $0x0  }
0x27: {  	[sflag:s9] =	ssyncadd.s32 $0xFFFFD000  }
.LBB2_1:
0x28: {  	[dreg:$0xb] =	wrdreg s14  }
0x29: {  	s8 =	rddreg [dreg:$0x6];
	s14 =	simm.s32 $0xD  }
0x2a: {  	[tilespmem:s5], [sflag:$0xD] =	stream.linear.gather [hbm4b:s8+s5], $0x2000, $0x38;
	[tilespmem:$0x1B640] =	vst v63  }
0x2b: {  	_ =	swait.ge [sflag:s14], $0x2000  }
0x2c: {  	[sflag:s14] =	ssyncset.done $0x0  }
0x2d: {  	s9 =	rddreg [dreg:$0xa];
	[sflag:s14] =	ssyncadd.s32 $0xFFFFE000  }
0x2e: {  	s14 =	simm.s32 @!p0 $0x1C0D;
	s8 =	rddreg [dreg:$0x2]  }
0x2f: {  	[spmem:s9], [sflag:s14] =	dma.local @!p0 [hbm:s8], $0xC80  }
0x30: {  	s14 =	simm.s32 @!p0 $0xD  }
0x31: {  	_ =	swait.ge @!p0 [sflag:s14], $0xC80  }
0x32: {  	[sflag:s14] =	ssyncset.done @!p0 $0x0  }
0x33: {  	[sflag:s14] =	ssyncadd.s32 @!p0 $0xFFFFF380  }
0x34: {  	s15 =	simm.s32 $0x2640;
	[bflag:$0x0] =	sbarrier.arrive $0xFFFF  }
0x35: {  	[tilespmem:s15], [sflag:$0x1] =	stream.linear.gather [spmem:s4], $0x6400, $0x38;
	[tilespmem:$0x1B640] =	vst v63  }
0x36: {  	_ = 	snop  }
0x37: {  	[tilespmem:s17], [sflag:$0x2] =	stream.linear.gather [spmem:s4], $0x6400, $0x38;
	[tilespmem:$0x1B640] =	vst v63  }
0x38: {  	s16 =	simm.s32 $0x1  }
0x39: {  	[tilespmem:s18], [sflag:$0x3] =	stream.linear.gather [spmem:s4], $0x6400, $0x38;
	[tilespmem:$0x1B640] =	vst v63  }
0x3a: {  	_ =	swait.ge [sflag:s16], $0x6400  }
0x3b: {  	[sflag:s16] =	ssyncset.done $0x0  }
0x3c: {  	s19 =	simm.s32 $0x80;
	[sflag:s16] =	ssyncadd.s32 $0xFFFF9C00  }
0x3d: {  	[tilespmem:s15], [sflag:$0x5] =	stream.indirect.gather.add.f32 [hbm:s1], $0x80, s5, s20, $0xb8;
	[tilespmem:$0x1B640] =	vst v63  }
0x3e: {  	s23 =	simm.s32 $0x5A40;
	s14 =	simm.s32 $0x0;
	s15 =	rddreg [dreg:$0x3]  }
0x3f: {  	[tilespmem:s23], [sflag:$0x5] =	stream.indirect.gather.add.f32 [hbm:s1], $0x80, s19, s21, $0xb8;
	[tilespmem:$0x1B640] =	vst v63  }
.LBB2_2:
0x40: {  	_ =	swait.ge [sflag:s24], $0x6400  }
0x41: {  	s19 =	sshra.s32 s14, $0x2;
	[sflag:s24] =	ssyncset.done $0x0  }
0x42: {  	s16 =	sadd.s32 $0x100, s19;
	[sflag:s24] =	ssyncadd.s32 $0xFFFF9C00  }
0x43: {  	[tilespmem:s17], [sflag:$0x6] =	stream.indirect.gather.add.f32 [hbm:s1], $0x80, s16, s20, $0xb8;
	[tilespmem:$0x1B640] =	vst v63  }
0x44: {  	s23 =	sadd.s32 $0x180, s19  }
0x45: {  	[tilespmem:s25], [sflag:$0x6] =	stream.indirect.gather.add.f32 [hbm:s1], $0x80, s23, s21, $0xb8;
	[tilespmem:$0x1B640] =	vst v63  }
0x46: {  	_ =	swait.ge [sflag:s26], $0x3400  }
0x47: {  	[sflag:s26] =	ssyncset.done $0x0;
	s8 =	rddreg [dreg:$0x9]  }
0x48: {  	s9 =	simm.s32 $0x2640;
	[sflag:s26] =	ssyncadd.s32 $0xFFFFCC00;
	s8 =	sadd.s32 s15, s8  }
0x49: {  	[hbm4b:s8+s5] =	stream.linear.scatter [tilespmem:s9], [sflag:$0x9], $0x3400, $0x38;
	[tilespmem:$0x1B640] =	vst v63  }
0x4a: {  	p1 =	seq.s32 s14, $0x0;
	_ =	swait.ge [sflag:s26], $0x3000  }
0x4b: {  	s16 =	simm.s32 @!p1 $0xB;
	[sflag:s26] =	ssyncset.done $0x0;
	s23 =	rddreg [dreg:$0x8]  }
0x4c: {  	[sflag:s26] =	ssyncadd.s32 $0xFFFFD000;
	s9 =	sadd.s32 s15, s23;
	s23 =	simm.s32 $0x5A40  }
0x4d: {  	[hbm4b:s9+s5] =	stream.linear.scatter [tilespmem:s23], [sflag:$0x9], $0x3000, $0x38;
	[tilespmem:$0x1B640] =	vst v63  }
0x4e: {  	_ =	swait.ge @!p1 [sflag:s16], $0x3400  }
0x4f: {  	[sflag:s16] =	ssyncset.done @!p1 $0x0  }
0x50: {  	[sflag:s16] =	ssyncadd.s32 @!p1 $0xFFFFCC00  }
0x51: {  	_ =	swait.ge @!p1 [sflag:s16], $0x3000  }
0x52: {  	[sflag:s16] =	ssyncset.done @!p1 $0x0  }
0x53: {  	[sflag:s16] =	ssyncadd.s32 @!p1 $0xFFFFD000;
	s16 =	simm.s32 @!p1 $0xEE40  }
0x54: {  	[tilespmem:s16], [sflag:$0x3] =	stream.linear.gather @!p1 [spmem:s4], $0x6400, $0x38;
	[tilespmem:$0x1B640] =	vst v63  }
0x55: {  	_ =	swait.ge [sflag:s28], $0x6400  }
0x56: {  	[sflag:s28] =	ssyncset.done $0x0  }
0x57: {  	s9 =	sadd.s32 $0x200, s19;
	[sflag:s28] =	ssyncadd.s32 $0xFFFF9C00  }
0x58: {  	[tilespmem:s18], [sflag:$0x7] =	stream.indirect.gather.add.f32 [hbm:s1], $0x80, s9, s20, $0xb8;
	[tilespmem:$0x1B640] =	vst v63  }
0x59: {  	s23 =	sadd.s32 $0x280, s19  }
0x5a: {  	[tilespmem:s29], [sflag:$0x7] =	stream.indirect.gather.add.f32 [hbm:s1], $0x80, s23, s21, $0xb8;
	[tilespmem:$0x1B640] =	vst v63  }
0x5b: {  	_ =	swait.ge [sflag:s30], $0x3400  }
0x5c: {  	s16 =	sadd.s32 s15, s11;
	[sflag:s30] =	ssyncset.done $0x0  }
0x5d: {  	s23 =	sadd.s32 $0xC80, s16;
	[sflag:s30] =	ssyncadd.s32 $0xFFFFCC00  }
0x5e: {  	[hbm4b:s23+s5] =	stream.linear.scatter [tilespmem:s17], [sflag:$0xA], $0x3400, $0x38;
	[tilespmem:$0x1B640] =	vst v63  }
0x5f: {  	_ =	swait.ge [sflag:s30], $0x3000  }
0x60: {  	[sflag:s30] =	ssyncset.done $0x0  }
0x61: {  	s8 =	sadd.s32 s15, s13;
	s23 =	simm.s32 @!p1 $0xC;
	[sflag:s30] =	ssyncadd.s32 $0xFFFFD000  }
0x62: {  	[hbm4b:s8+s5] =	stream.linear.scatter [tilespmem:s25], [sflag:$0xA], $0x3000, $0x38;
	[tilespmem:$0x1B640] =	vst v63  }
0x63: {  	_ =	swait.ge @!p1 [sflag:s23], $0x3400  }
0x64: {  	[sflag:s23] =	ssyncset.done @!p1 $0x0  }
0x65: {  	[sflag:s23] =	ssyncadd.s32 @!p1 $0xFFFFCC00  }
0x66: {  	_ =	swait.ge @!p1 [sflag:s23], $0x3000  }
0x67: {  	[sflag:s23] =	ssyncset.done @!p1 $0x0  }
0x68: {  	[sflag:s23] =	ssyncadd.s32 @!p1 $0xFFFFD000  }
0x69: {  	[tilespmem:s31], [sflag:$0x4] =	stream.linear.gather [spmem:s4], $0x6400, $0x38;
	[tilespmem:$0x1B640] =	vst v63  }
0x6a: {  	_ =	swait.ge [sflag:s0], $0x6400  }
0x6b: {  	[sflag:s0] =	ssyncset.done $0x0  }
0x6c: {  	s9 =	sadd.s32 $0x300, s19;
	[sflag:s0] =	ssyncadd.s32 $0xFFFF9C00  }
0x6d: {  	[tilespmem:s31], [sflag:$0x8] =	stream.indirect.gather.add.f32 [hbm:s1], $0x80, s9, s20, $0xb8;
	[tilespmem:$0x1B640] =	vst v63  }
0x6e: {  	s19 =	sadd.s32 $0x380, s19  }
0x6f: {  	[tilespmem:s2], [sflag:$0x8] =	stream.indirect.gather.add.f32 [hbm:s1], $0x80, s19, s21, $0xb8;
	[tilespmem:$0x1B640] =	vst v63  }
0x70: {  	_ =	swait.ge [sflag:s3], $0x3400  }
0x71: {  	[sflag:s3] =	ssyncset.done $0x0  }
0x72: {  	s8 =	sadd.s32 $0x1900, s16;
	[sflag:s3] =	ssyncadd.s32 $0xFFFFCC00  }
0x73: {  	[hbm4b:s8+s5] =	stream.linear.scatter [tilespmem:s18], [sflag:$0xB], $0x3400, $0x38;
	[tilespmem:$0x1B640] =	vst v63  }
0x74: {  	_ =	swait.ge [sflag:s3], $0x3000  }
0x75: {  	[sflag:s3] =	ssyncset.done $0x0  }
0x76: {  	s9 =	sadd.s32 s15, s12;
	[sflag:s3] =	ssyncadd.s32 $0xFFFFD000  }
0x77: {  	[hbm4b:s9+s5] =	stream.linear.scatter [tilespmem:s29], [sflag:$0xB], $0x3000, $0x38;
	[tilespmem:$0x1B640] =	vst v63  }
0x78: {  	_ =	swait.ge [sflag:s22], $0x3400  }
0x79: {  	[sflag:s22] =	ssyncset.done $0x0  }
0x7a: {  	[sflag:s22] =	ssyncadd.s32 $0xFFFFCC00  }
0x7b: {  	_ =	swait.ge [sflag:s22], $0x3000  }
0x7c: {  	p1 =	seq.s32 s14, $0x7000;
	[sflag:s22] =	ssyncset.done $0x0  }
0x7d: {  	s23 =	simm.s32 @!p1 $0x1;
	s19 =	simm.s32 @!p1 $0x2640;
	[sflag:s22] =	ssyncadd.s32 $0xFFFFD000  }
0x7e: {  	[tilespmem:s19], [sflag:$0x1] =	stream.linear.gather @!p1 [spmem:s4], $0x6400, $0x38;
	[tilespmem:$0x1B640] =	vst v63  }
0x7f: {  	_ =	swait.ge @!p1 [sflag:s23], $0x6400  }
0x80: {  	s8 =	sshra.s32 @!p1 s14, $0x2;
	[sflag:s23] =	ssyncset.done @!p1 $0x0  }
0x81: {  	s9 =	simm.s32 @!p1 $0x68;
	[sflag:s23] =	ssyncadd.s32 @!p1 $0xFFFF9C00;
	s23 =	sadd.s32 @!p1 $0x400, s8  }
0x82: {  	[tilespmem:s19], [sflag:$0x5] =	stream.indirect.gather.add.f32 @!p1 [hbm:s1], $0x80, s23, s9, $0xb8;
	[tilespmem:$0x1B640] =	vst v63  }
0x83: {  	s8 =	sadd.s32 @!p1 $0x480, s8;
	s9 =	simm.s32 @!p1 $0x60;
	s19 =	simm.s32 @!p1 $0x5A40  }
0x84: {  	[tilespmem:s19], [sflag:$0x5] =	stream.indirect.gather.add.f32 @!p1 [hbm:s1], $0x80, s8, s9, $0xb8;
	[tilespmem:$0x1B640] =	vst v63  }
0x85: {  	_ =	swait.ge [sflag:s6], $0x3400  }
0x86: {  	[sflag:s6] =	ssyncset.done $0x0  }
0x87: {  	s19 =	sadd.s32 $0x2580, s16;
	[sflag:s6] =	ssyncadd.s32 $0xFFFFCC00  }
0x88: {  	[hbm4b:s19+s5] =	stream.linear.scatter [tilespmem:s31], [sflag:$0xC], $0x3400, $0x38;
	[tilespmem:$0x1B640] =	vst v63  }
0x89: {  	_ =	swait.ge [sflag:s6], $0x3000  }
0x8a: {  	[sflag:s6] =	ssyncset.done $0x0  }
0x8b: {  	s23 =	sadd.s32 s15, s10;
	[sflag:s6] =	ssyncadd.s32 $0xFFFFD000  }
0x8c: {  	[hbm4b:s23+s5] =	stream.linear.scatter [tilespmem:s2], [sflag:$0xC], $0x3000, $0x38;
	[tilespmem:$0x1B640] =	vst v63  }
0x8d: {  	_ =	swait.ge [sflag:s7], $0x3400  }
.Ltmp2:
0x8e: {  	[sflag:s7] =	ssyncset.done $0x0;
	(pc) =	sbr.rel @p1 .LBB2_4-.Ltmp2, $4  }
0x8f: {  	[sflag:s7] =	ssyncadd.s32 $0xFFFFCC00  }
0x90: {  	_ =	swait.ge [sflag:s7], $0x3000  }
0x91: {  	[sflag:s7] =	ssyncset.done $0x0  }
0x92: {  	[sflag:s7] =	ssyncadd.s32 $0xFFFFD000  }
.Ltmp3:
0x93: {  	(pc) =	sbr.rel .LBB2_2-.Ltmp3, $3  }
0x94: {  	_ =	sdelay $0x1  }
0x95: {  	[tilespmem:s17], [sflag:$0x2] =	stream.linear.gather [spmem:s4], $0x6400, $0x38;
	[tilespmem:$0x1B640] =	vst v63  }
0x96: {  	s14 =	sadd.s32 $0x1000, s14;
	s15 =	sadd.s32 $0x3200, s15  }
.LBB2_5:
0x97: {  	_ =	sfence.sel $0x180000  }
0x98: {  	[bflag:$0x0] =	sbarrier.arrive $0xFFFF  }
0x99: {  	_ =	strace $0x90000047  }
0x9a: {  	[bflag:$0x2] =	sbarrier.arrive $0xFFFF  }
0x9b: {  	s0 =	rddreg [dreg:$0x5]  }
0x9c: {  	s0 =	sadd.s32 @!p0 $0x100000, s0  }
0x9d: {  	[sflag:s0] =	ssyncadd.tile.s32 @!p0 $0x1;
	_ =	shalt  }
.Lfunc_end2:
_tile_overlayer_lowered:
.L_overlay_start_2:
0x9e: {  	(tag) =	ssettag $0x2  }
0x9f: {  	s0 =	rddreg [dreg:$0x0];
	s2 =	stileid.u32  }
0xa0: {  	s1 =	rddreg [dreg:$0x1];
	p0 =	sne.s32 s2, $0x0  }
0xa1: {  	s3 =	rddreg [dreg:$0x2];
	[bflag:$0x3] =	sbarrier.arrive $0xFFFF;
	s2 =	simm.s32 @!p0 $0x1C0D  }
0xa2: {  	[timem:s3], [sflag:s2] =	dma.local @!p0 [hbm:s0], s1  }
0xa3: {  	s0 =	simm.s32 @!p0 $0xD  }
0xa4: {  	_ =	swait.ge @!p0 [sflag:s0], s1  }
0xa5: {  	s1 =	ssub.s32 @!p0 $0x0, s1;
	[sflag:s0] =	ssyncset.done @!p0 $0x0  }
0xa6: {  	[sflag:s0] =	ssyncadd.s32 @!p0 s1  }
0xa7: {  	[bflag:$0x3] =	sbarrier.arrive $0xFFFF  }
0xa8: {  	_ =	shalt  }

</sc_bundles>
